<compile_context>
chip_gen: v7x
topology: tpu7x:2x2x1
jax: 0.10.2.dev20260603
libtpu: 0.0.44.dev20260713+nightly
codegen_flags: <defaults>
</compile_context>

<pallas_src>
import dataclasses

import jax
import jax.numpy as jnp
from jax import lax
from jax.experimental import pallas as pl
from jax.experimental.pallas import tpu as pltpu
from jax.experimental.pallas import tpu_sc as plsc

N = 10000
D = 128
OUT = 128
E = 320000

NC = 2
NS = 16
NW = NC * NS
K = 128
G = E // K
GC = G // NC
ZK = 80
ZCH = N // ZK
MAXI = GC // NS + 1


def _sc_body(h_hbm, ei_hbm, agg_hbm, cnt_hbm,
             idx0, idx1, idx2, idx3, rows0, rows1, cnt_v, agg_sh,
             gsem0, gsem1, isem0, isem1, isem2, isem3):
    _ZERO16 = jnp.zeros((16,), jnp.float32)
    _ONE16 = jnp.ones((16,), jnp.float32)
    c = lax.axis_index("c")
    s = lax.axis_index("s")
    wid = c * NS + s

    def _early(r, idx_c, isem):
        @pl.when(r < GC)
        def _():
            pltpu.async_copy(ei_hbm.at[c * GC + r], idx_c, isem)

    _early(s, idx0, isem0)
    _early(s + NS, idx1, isem1)

    @pl.when(s < GC)
    def _():
        pltpu.make_async_copy(ei_hbm.at[c * GC + s], idx0, isem0).wait()
        pltpu.async_copy(h_hbm.at[idx0.at[0]], rows0, gsem0)

    @pl.loop(0, K)
    def _(r):
        @pl.loop(0, D, step=16)
        def _(q):
            rows1[r, pl.ds(q, 16)] = _ZERO16

    @pl.loop(0, N, step=16)
    def _(q):
        cnt_v[pl.ds(q, 16)] = _ZERO16

    @pl.loop(0, 8)
    def _(i):
        ch = s + i * NS

        @pl.when(ch < ZCH)
        def _():
            pltpu.sync_copy(rows1.at[pl.ds(0, ZK)],
                            agg_sh.at[pl.ds(ch * ZK, ZK)])

    plsc.subcore_barrier()

    def prefetch_idx(r, idx_c, isem):
        @pl.when(r < GC)
        def _():
            pltpu.async_copy(ei_hbm.at[c * GC + r], idx_c, isem)

    def start_gather(r, idx_c, isem, rows_v, gsem):
        @pl.when(r < GC)
        def _():
            pltpu.make_async_copy(ei_hbm.at[c * GC + r], idx_c, isem).wait()
            pltpu.async_copy(h_hbm.at[idx_c.at[0]], rows_v, gsem)

    def finish_chunk(r, idx_c, rows_v, gsem):
        @pl.when(r < GC)
        def _():
            @pl.loop(0, K, step=16)
            def _(q):
                plsc.addupdate_scatter(cnt_v, [idx_c[1, pl.ds(q, 16)]],
                                       _ONE16)

            pltpu.make_async_copy(h_hbm.at[idx_c.at[0]], rows_v, gsem).wait()
            pltpu.sync_copy(rows_v, agg_sh.at[idx_c.at[1]], add=True)

    @pl.loop(0, MAXI + 1, step=4)
    def _(i):
        r = s + i * NS
        prefetch_idx(r + 2 * NS, idx2, isem2)
        prefetch_idx(r + 3 * NS, idx3, isem3)
        start_gather(r + NS, idx1, isem1, rows1, gsem1)
        finish_chunk(r, idx0, rows0, gsem0)
        start_gather(r + 2 * NS, idx2, isem2, rows0, gsem0)
        finish_chunk(r + NS, idx1, rows1, gsem1)
        prefetch_idx(r + 4 * NS, idx0, isem0)
        prefetch_idx(r + 5 * NS, idx1, isem1)
        start_gather(r + 3 * NS, idx3, isem3, rows1, gsem1)
        finish_chunk(r + 2 * NS, idx2, rows0, gsem0)
        start_gather(r + 4 * NS, idx0, isem0, rows0, gsem0)
        finish_chunk(r + 3 * NS, idx3, rows1, gsem1)

    plsc.subcore_barrier()

    pltpu.sync_copy(cnt_v, cnt_hbm.at[wid])

    @pl.loop(0, 8)
    def _(i):
        ch = s + i * NS

        @pl.when(ch < ZCH)
        def _():
            pltpu.sync_copy(agg_sh.at[pl.ds(ch * ZK, ZK)],
                            agg_hbm.at[c, pl.ds(ch * ZK, ZK)])


def _sc_aggregate(h2, ei3):
    mesh = plsc.VectorSubcoreMesh(core_axis_name="c", subcore_axis_name="s")
    cp = pltpu.CompilerParams()
    if "needs_layout_passes" in pltpu.CompilerParams.__dataclass_fields__:
        cp = dataclasses.replace(cp, needs_layout_passes=False)
    fn = pl.kernel(
        _sc_body,
        compiler_params=cp,
        out_type=[
            jax.ShapeDtypeStruct((NC, N, D), jnp.float32),
            jax.ShapeDtypeStruct((NW, N), jnp.float32),
        ],
        mesh=mesh,
        scratch_types=[
            pltpu.VMEM((8, K), jnp.int32),
            pltpu.VMEM((8, K), jnp.int32),
            pltpu.VMEM((8, K), jnp.int32),
            pltpu.VMEM((8, K), jnp.int32),
            pltpu.VMEM((K, D), jnp.float32),
            pltpu.VMEM((K, D), jnp.float32),
            pltpu.VMEM((N,), jnp.float32),
            pltpu.VMEM_SHARED((N, D), jnp.float32),
            pltpu.SemaphoreType.DMA,
            pltpu.SemaphoreType.DMA,
            pltpu.SemaphoreType.DMA,
            pltpu.SemaphoreType.DMA,
            pltpu.SemaphoreType.DMA,
            pltpu.SemaphoreType.DMA,
        ],
    )
    return fn(h2, ei3)


def _tc_self_body(h_ref, ws_ref, b_ref, o_ref):
    dn = (((1,), (1,)), ((), ()))
    o_ref[...] = lax.dot_general(h_ref[...], ws_ref[...], dn,
                                 preferred_element_type=jnp.float32,
                                 precision=lax.Precision.HIGHEST) + b_ref[...]


def _tc_self(h2, W_self, bias2):
    R = 2000
    return pl.pallas_call(
        _tc_self_body,
        grid=(N // R,),
        in_specs=[
            pl.BlockSpec((R, D), lambda i: (i, 0)),
            pl.BlockSpec((OUT, D), lambda i: (0, 0)),
            pl.BlockSpec((1, OUT), lambda i: (0, 0)),
        ],
        out_specs=pl.BlockSpec((R, OUT), lambda i: (i, 0)),
        out_shape=jax.ShapeDtypeStruct((N, OUT), jnp.float32),
    )(h2, W_self, bias2)


def _tc_body(hs_ref, agg_ref, cnt_ref, wm_ref, o_ref):
    agg = agg_ref[0] + agg_ref[1]
    cnt = jnp.maximum(jnp.sum(cnt_ref[...], axis=1), 1.0)[:, None]
    dn = (((1,), (1,)), ((), ()))
    ha = lax.dot_general(agg, wm_ref[...], dn,
                         preferred_element_type=jnp.float32,
                         precision=lax.Precision.HIGHEST)
    o_ref[...] = jnp.maximum(hs_ref[...] + ha / cnt, 0.0)


def _tc_combine(hself, aggp, cntp, W_msg):
    R = 2000
    return pl.pallas_call(
        _tc_body,
        grid=(N // R,),
        in_specs=[
            pl.BlockSpec((R, OUT), lambda i: (i, 0)),
            pl.BlockSpec((NC, R, D), lambda i: (0, i, 0)),
            pl.BlockSpec((R, NW), lambda i: (i, 0)),
            pl.BlockSpec((OUT, D), lambda i: (0, 0)),
        ],
        out_specs=pl.BlockSpec((R, OUT), lambda i: (i, 0)),
        out_shape=jax.ShapeDtypeStruct((N, OUT), jnp.float32),
    )(hself, aggp, cntp, W_msg)


def kernel(h, edge_index, W_self, W_msg, bias):
    h2 = h.reshape(N, D)
    ei_t = jnp.transpose(edge_index.reshape(2, G, K), (1, 0, 2))
    ei3 = jnp.zeros((G, 8, K), jnp.int32).at[:, :2, :].set(ei_t)
    aggp, cntp = _sc_aggregate(h2, ei3)
    hself = _tc_self(h2, W_self, bias.reshape(1, OUT))
    out = _tc_combine(hself, aggp, cntp.T, W_msg)
    return out.reshape(1, N, OUT)

# --- scband reference (transcript-rebuilt; emitter-appended) ---
"""Pipeline reference for scband-message-passing-layer-86260123173216 (READ-ONLY COPY).

The authoritative reference and input builder live on the scoring server;
editing this copy changes nothing except your own understanding.
"""

import jax, jax.numpy as jnp
import numpy as np

B, N, D, OUT = 1, 10000, 128, 128
E = 320000

def setup_inputs(seed: int = 0) -> dict:
    key = jax.random.key(seed)
    k1, k2, k3, k4 = jax.random.split(key, 4)
    h = jax.random.normal(k1, (B, N, D), dtype=jnp.float32)
    edge_index = jax.random.randint(k2, (2, E), 0, N, dtype=jnp.int32)
    W_self = jax.random.normal(k3, (OUT, D), dtype=jnp.float32) * 0.05
    W_msg = jax.random.normal(k4, (OUT, D), dtype=jnp.float32) * 0.05
    bias = jnp.zeros((OUT,), dtype=jnp.float32)
    return {"h": h, "edge_index": edge_index, "W_self": W_self, "W_msg": W_msg, "bias": bias}

def reference(h, edge_index, W_self, W_msg, bias):
    Bx, Nx, Dx = h.shape
    h_self = h @ W_self.T
    src = edge_index[0]
    dst = edge_index[1]
    h_src = h[:, src, :]                      # gather [B, E, D]
    msg = h_src @ W_msg.T                     # [B, E, OUT]
    out_dim = h_self.shape[-1]
    h_agg = jnp.zeros((Bx, Nx, out_dim), dtype=h.dtype).at[:, dst, :].add(msg)
    ones = jnp.ones((Bx, dst.shape[0], 1), dtype=h.dtype)
    count = jnp.zeros((Bx, Nx, 1), dtype=h.dtype).at[:, dst, :].add(ones)
    count = jnp.clip(count, 1.0, None)
    h_agg = h_agg / count
    return jax.nn.relu(h_self + h_agg + bias)

if __name__ == "__main__":
    import jax
    _d = setup_inputs()
    print(jax.jit(kernel)(*tuple(_d.values())))

</pallas_src>

<mosaic_0001>
#map = affine_map<(d0, d1) -> (0, 0)>
#map1 = affine_map<(d0, d1) -> (0, 0, 0)>
module attributes {stable_mosaic.version = 14 : i64} {
  func.func @_sc_body(%arg0: i32, %arg1: i32, %arg2: memref<10000x128xf32, #tpu.memory_space<hbm>>, %arg3: memref<2500x8x128xi32, #tpu.memory_space<hbm>>, %arg4: memref<2x10000x128xf32, #tpu.memory_space<hbm>>, %arg5: memref<32x10000xf32, #tpu.memory_space<hbm>>, %arg6: memref<8x128xi32, #tpu.memory_space<vmem>>, %arg7: memref<8x128xi32, #tpu.memory_space<vmem>>, %arg8: memref<8x128xi32, #tpu.memory_space<vmem>>, %arg9: memref<8x128xi32, #tpu.memory_space<vmem>>, %arg10: memref<128x128xf32, #tpu.memory_space<vmem>>, %arg11: memref<128x128xf32, #tpu.memory_space<vmem>>, %arg12: memref<10000xf32, #tpu.memory_space<vmem>>, %arg13: memref<10000x128xf32, #tpu.memory_space<vmem_shared>>, %arg14: memref<!tpu.dma_semaphore, #tpu.memory_space<semaphore_mem>>, %arg15: memref<!tpu.dma_semaphore, #tpu.memory_space<semaphore_mem>>, %arg16: memref<!tpu.dma_semaphore, #tpu.memory_space<semaphore_mem>>, %arg17: memref<!tpu.dma_semaphore, #tpu.memory_space<semaphore_mem>>, %arg18: memref<!tpu.dma_semaphore, #tpu.memory_space<semaphore_mem>>, %arg19: memref<!tpu.dma_semaphore, #tpu.memory_space<semaphore_mem>>) attributes {dimension_semantics = [#tpu.dimension_semantics<core_parallel>, #tpu.dimension_semantics<subcore_parallel>], iteration_bounds = array<i64: 2, 16>, scalar_prefetch = 0 : i64, scratch_operands = 14 : i64, tpu.core_type = #tpu.core_type<sc_vector_subcore>, window_params = [{transform_indices = #map}, {transform_indices = #map1}, {transform_indices = #map1}, {transform_indices = #map}]} {
    %broadcast_in_dim3A = arith.constant 0.000000e+00 : f32
    %broadcast_in_dim3A_0 = vector.broadcast %broadcast_in_dim3A : f32 to vector<16xf32>
    %broadcast_in_dim3A_1 = arith.constant 1.000000e+00 : f32
    %broadcast_in_dim3A_2 = vector.broadcast %broadcast_in_dim3A_1 : f32 to vector<16xf32>
    %mul3A = arith.constant 16 : i32
    %mul3A_3 = arith.muli %arg0, %mul3A : i32
    %add3A = arith.addi %mul3A_3, %arg1 : i32
    %lt3A = arith.constant 1250 : i32
    %lt3A_4 = arith.cmpi slt, %arg1, %lt3A : i32
    %convert_element_type3A = arith.extui %lt3A_4 : i1 to i32
    %cond3A = arith.constant 0 : i32
    %cond3A_5 = arith.cmpi ne, %convert_element_type3A, %cond3A : i32
    scf.if %cond3A_5 {
      %mul3A_43 = arith.constant 1250 : i32
      %mul3A_44 = arith.muli %arg0, %mul3A_43 : i32
      %add3A_45 = arith.addi %mul3A_44, %arg1 : i32
      %dma_start3A = arith.constant 0 : i32
      %dma_start3A_46 = arith.constant 0 : i32
      %dma_start3A_47 = tpu.memref_slice %arg3[%add3A_45, %dma_start3A, %dma_start3A_46] : memref<2500x8x128xi32, #tpu.memory_space<hbm>> -> memref<1x8x128xi32, #tpu.memory_space<hbm>>
      %dma_start3A_48 = tpu.memref_squeeze %dma_start3A_47 : memref<1x8x128xi32, #tpu.memory_space<hbm>> -> memref<8x128xi32, #tpu.memory_space<hbm>>
      %dma_start3A_49 = arith.constant 0 : i32
      %dma_start3A_50 = arith.constant 0 : i32
      %dma_start3A_51 = tpu.memref_slice %arg3[%add3A_45, %dma_start3A_49, %dma_start3A_50] : memref<2500x8x128xi32, #tpu.memory_space<hbm>> -> memref<1x8x128xi32, #tpu.memory_space<hbm>>
      %dma_start3A_52 = tpu.memref_squeeze %dma_start3A_51 : memref<1x8x128xi32, #tpu.memory_space<hbm>> -> memref<8x128xi32, #tpu.memory_space<hbm>>
      tpu.enqueue_dma source(%dma_start3A_52 : memref<8x128xi32, #tpu.memory_space<hbm>>) target(%arg6 : memref<8x128xi32, #tpu.memory_space<vmem>>) target_semaphore(%arg16 : memref<!tpu.dma_semaphore, #tpu.memory_space<semaphore_mem>>)
    } else {
    }
    %add3A_6 = arith.constant 16 : i32
    %add3A_7 = arith.addi %arg1, %add3A_6 : i32
    %lt3A_8 = arith.constant 1250 : i32
    %lt3A_9 = arith.cmpi slt, %add3A_7, %lt3A_8 : i32
    %convert_element_type3A_10 = arith.extui %lt3A_9 : i1 to i32
    %cond3A_11 = arith.constant 0 : i32
    %cond3A_12 = arith.cmpi ne, %convert_element_type3A_10, %cond3A_11 : i32
    scf.if %cond3A_12 {
      %mul3A_43 = arith.constant 1250 : i32
      %mul3A_44 = arith.muli %arg0, %mul3A_43 : i32
      %add3A_45 = arith.addi %mul3A_44, %add3A_7 : i32
      %dma_start3A = arith.constant 0 : i32
      %dma_start3A_46 = arith.constant 0 : i32
      %dma_start3A_47 = tpu.memref_slice %arg3[%add3A_45, %dma_start3A, %dma_start3A_46] : memref<2500x8x128xi32, #tpu.memory_space<hbm>> -> memref<1x8x128xi32, #tpu.memory_space<hbm>>
      %dma_start3A_48 = tpu.memref_squeeze %dma_start3A_47 : memref<1x8x128xi32, #tpu.memory_space<hbm>> -> memref<8x128xi32, #tpu.memory_space<hbm>>
      %dma_start3A_49 = arith.constant 0 : i32
      %dma_start3A_50 = arith.constant 0 : i32
      %dma_start3A_51 = tpu.memref_slice %arg3[%add3A_45, %dma_start3A_49, %dma_start3A_50] : memref<2500x8x128xi32, #tpu.memory_space<hbm>> -> memref<1x8x128xi32, #tpu.memory_space<hbm>>
      %dma_start3A_52 = tpu.memref_squeeze %dma_start3A_51 : memref<1x8x128xi32, #tpu.memory_space<hbm>> -> memref<8x128xi32, #tpu.memory_space<hbm>>
      tpu.enqueue_dma source(%dma_start3A_52 : memref<8x128xi32, #tpu.memory_space<hbm>>) target(%arg7 : memref<8x128xi32, #tpu.memory_space<vmem>>) target_semaphore(%arg17 : memref<!tpu.dma_semaphore, #tpu.memory_space<semaphore_mem>>)
    } else {
    }
    %lt3A_13 = arith.constant 1250 : i32
    %lt3A_14 = arith.cmpi slt, %arg1, %lt3A_13 : i32
    %convert_element_type3A_15 = arith.extui %lt3A_14 : i1 to i32
    %cond3A_16 = arith.constant 0 : i32
    %cond3A_17 = arith.cmpi ne, %convert_element_type3A_15, %cond3A_16 : i32
    scf.if %cond3A_17 {
      %mul3A_43 = arith.constant 1250 : i32
      %mul3A_44 = arith.muli %arg0, %mul3A_43 : i32
      %add3A_45 = arith.addi %mul3A_44, %arg1 : i32
      %dma_wait3A = arith.constant 0 : i32
      %dma_wait3A_46 = arith.constant 0 : i32
      %dma_wait3A_47 = tpu.memref_slice %arg3[%add3A_45, %dma_wait3A, %dma_wait3A_46] : memref<2500x8x128xi32, #tpu.memory_space<hbm>> -> memref<1x8x128xi32, #tpu.memory_space<hbm>>
      %dma_wait3A_48 = tpu.memref_squeeze %dma_wait3A_47 : memref<1x8x128xi32, #tpu.memory_space<hbm>> -> memref<8x128xi32, #tpu.memory_space<hbm>>
      %dma_wait3A_49 = arith.constant 0 : i32
      %dma_wait3A_50 = arith.constant 0 : i32
      %dma_wait3A_51 = tpu.memref_slice %arg3[%add3A_45, %dma_wait3A_49, %dma_wait3A_50] : memref<2500x8x128xi32, #tpu.memory_space<hbm>> -> memref<1x8x128xi32, #tpu.memory_space<hbm>>
      %dma_wait3A_52 = tpu.memref_squeeze %dma_wait3A_51 : memref<1x8x128xi32, #tpu.memory_space<hbm>> -> memref<8x128xi32, #tpu.memory_space<hbm>>
      tpu.wait_dma2 semaphore(%arg16 : memref<!tpu.dma_semaphore, #tpu.memory_space<semaphore_mem>>) src(%dma_wait3A_52 : memref<8x128xi32, #tpu.memory_space<hbm>>) dst(%arg6 : memref<8x128xi32, #tpu.memory_space<vmem>>)
      %dma_start3A = arith.constant 0 : i32
      %dma_start3A_53 = arith.constant 0 : i32
      %dma_start3A_54 = tpu.memref_slice %arg6[%dma_start3A, %dma_start3A_53] : memref<8x128xi32, #tpu.memory_space<vmem>> -> memref<1x128xi32, #tpu.memory_space<vmem>>
      %dma_start3A_55 = tpu.memref_squeeze %dma_start3A_54 : memref<1x128xi32, #tpu.memory_space<vmem>> -> memref<128xi32, #tpu.memory_space<vmem>>
      %dma_start3A_56 = arith.constant 0 : i32
      %dma_start3A_57 = arith.constant 0 : i32
      %dma_start3A_58 = tpu.memref_slice %arg2[%dma_start3A_56, %dma_start3A_57] : memref<10000x128xf32, #tpu.memory_space<hbm>> -> memref<10000x128xf32, #tpu.memory_space<hbm>>
      tpu.enqueue_indirect_dma source(%dma_start3A_58 : memref<10000x128xf32, #tpu.memory_space<hbm>>) target(%arg10 : memref<128x128xf32, #tpu.memory_space<vmem>>) offsets(%dma_start3A_55 : memref<128xi32, #tpu.memory_space<vmem>>) semaphore(%arg14 : memref<!tpu.dma_semaphore, #tpu.memory_space<semaphore_mem>>)
    } else {
    }
    %scan3A = arith.constant 0 : i32
    %scan3A_18 = arith.constant 128 : i32
    %scan3A_19 = arith.addi %scan3A, %scan3A_18 : i32
    %scan3A_20 = arith.constant 1 : i32
    scf.for %scan3A_43 = %scan3A to %scan3A_19 step %scan3A_20  : i32 {
      %mul3A_44 = arith.constant 1 : i32
      %mul3A_45 = arith.muli %scan3A_43, %mul3A_44 : i32
      %add3A_46 = arith.constant 0 : i32
      %add3A_47 = arith.addi %add3A_46, %mul3A_45 : i32
      %scan3A_48 = arith.constant 0 : i32
      %scan3A_49 = arith.constant 8 : i32
      %scan3A_50 = arith.addi %scan3A_48, %scan3A_49 : i32
      %scan3A_51 = arith.constant 1 : i32
      scf.for %scan3A_53 = %scan3A_48 to %scan3A_50 step %scan3A_51  : i32 {
        %mul3A_54 = arith.constant 16 : i32
        %mul3A_55 = arith.muli %scan3A_53, %mul3A_54 : i32
        %add3A_56 = arith.constant 0 : i32
        %add3A_57 = arith.addi %add3A_56, %mul3A_55 : i32
        %swap3A = arith.index_cast %add3A_47 : i32 to index
        %swap3A_58 = arith.index_cast %add3A_57 : i32 to index
        %swap3A_59 = tpu.vector_load %arg11[%swap3A, %swap3A_58] {strides = array<i32>} : memref<128x128xf32, #tpu.memory_space<vmem>>, vector<16xf32>,
        tpu.vector_store %arg11[%swap3A, %swap3A_58], %broadcast_in_dim3A_0 {strides = array<i32>} : memref<128x128xf32, #tpu.memory_space<vmem>>, vector<16xf32>,
      }
      %scan3A_52 = arith.constant 8 : i32
    }
    %scan3A_21 = arith.constant 128 : i32
    %scan3A_22 = arith.constant 0 : i32
    %scan3A_23 = arith.constant 625 : i32
    %scan3A_24 = arith.addi %scan3A_22, %scan3A_23 : i32
    %scan3A_25 = arith.constant 1 : i32
    scf.for %scan3A_43 = %scan3A_22 to %scan3A_24 step %scan3A_25  : i32 {
      %mul3A_44 = arith.constant 16 : i32
      %mul3A_45 = arith.muli %scan3A_43, %mul3A_44 : i32
      %add3A_46 = arith.constant 0 : i32
      %add3A_47 = arith.addi %add3A_46, %mul3A_45 : i32
      %swap3A = arith.index_cast %add3A_47 : i32 to index
      %swap3A_48 = tpu.vector_load %arg12[%swap3A] {strides = array<i32>} : memref<10000xf32, #tpu.memory_space<vmem>>, vector<16xf32>,
      tpu.vector_store %arg12[%swap3A], %broadcast_in_dim3A_0 {strides = array<i32>} : memref<10000xf32, #tpu.memory_space<vmem>>, vector<16xf32>,
    }
    %scan3A_26 = arith.constant 625 : i32
    %scan3A_27 = arith.constant 0 : i32
    %scan3A_28 = arith.constant 8 : i32
    %scan3A_29 = arith.addi %scan3A_27, %scan3A_28 : i32
    %scan3A_30 = arith.constant 1 : i32
    scf.for %scan3A_43 = %scan3A_27 to %scan3A_29 step %scan3A_30  : i32 {
      %mul3A_44 = arith.constant 1 : i32
      %mul3A_45 = arith.muli %scan3A_43, %mul3A_44 : i32
      %add3A_46 = arith.constant 0 : i32
      %add3A_47 = arith.addi %add3A_46, %mul3A_45 : i32
      %mul3A_48 = arith.constant 16 : i32
      %mul3A_49 = arith.muli %add3A_47, %mul3A_48 : i32
      %add3A_50 = arith.addi %arg1, %mul3A_49 : i32
      %lt3A_51 = arith.constant 125 : i32
      %lt3A_52 = arith.cmpi slt, %add3A_50, %lt3A_51 : i32
      %convert_element_type3A_53 = arith.extui %lt3A_52 : i1 to i32
      %cond3A_54 = arith.constant 0 : i32
      %cond3A_55 = arith.cmpi ne, %convert_element_type3A_53, %cond3A_54 : i32
      scf.if %cond3A_55 {
        %mul3A_56 = arith.constant 80 : i32
        %mul3A_57 = arith.muli %add3A_50, %mul3A_56 : i32
        "tpu.region"() ({
          %run_scoped3A = tpu.sem_alloc : memref<!tpu.dma_semaphore, #tpu.memory_space<semaphore_mem>>
          %dma_start3A = arith.constant 0 : i32
          %dma_start3A_58 = arith.constant 0 : i32
          %dma_start3A_59 = tpu.memref_slice %arg11[%dma_start3A, %dma_start3A_58] : memref<128x128xf32, #tpu.memory_space<vmem>> -> memref<80x128xf32, #tpu.memory_space<vmem>>
          %dma_start3A_60 = arith.constant 0 : i32
          %dma_start3A_61 = tpu.memref_slice %arg13[%mul3A_57, %dma_start3A_60] : memref<10000x128xf32, #tpu.memory_space<vmem_shared>> -> memref<80x128xf32, #tpu.memory_space<vmem_shared>>
          %dma_start3A_62 = arith.constant 0 : i32
          %dma_start3A_63 = tpu.memref_slice %arg13[%mul3A_57, %dma_start3A_62] : memref<10000x128xf32, #tpu.memory_space<vmem_shared>> -> memref<80x128xf32, #tpu.memory_space<vmem_shared>>
          %dma_start3A_64 = arith.constant 0 : i32
          %dma_start3A_65 = arith.constant 0 : i32
          %dma_start3A_66 = tpu.memref_slice %arg11[%dma_start3A_64, %dma_start3A_65] : memref<128x128xf32, #tpu.memory_space<vmem>> -> memref<80x128xf32, #tpu.memory_space<vmem>>
          tpu.enqueue_dma source(%dma_start3A_66 : memref<80x128xf32, #tpu.memory_space<vmem>>) target(%dma_start3A_63 : memref<80x128xf32, #tpu.memory_space<vmem_shared>>) target_semaphore(%run_scoped3A : memref<!tpu.dma_semaphore, #tpu.memory_space<semaphore_mem>>)
          %dma_wait3A = arith.constant 0 : i32
          %dma_wait3A_67 = arith.constant 0 : i32
          %dma_wait3A_68 = tpu.memref_slice %arg11[%dma_wait3A, %dma_wait3A_67] : memref<128x128xf32, #tpu.memory_space<vmem>> -> memref<80x128xf32, #tpu.memory_space<vmem>>
          %dma_wait3A_69 = arith.constant 0 : i32
          %dma_wait3A_70 = tpu.memref_slice %arg13[%mul3A_57, %dma_wait3A_69] : memref<10000x128xf32, #tpu.memory_space<vmem_shared>> -> memref<80x128xf32, #tpu.memory_space<vmem_shared>>
          %dma_wait3A_71 = arith.constant 0 : i32
          %dma_wait3A_72 = tpu.memref_slice %arg13[%mul3A_57, %dma_wait3A_71] : memref<10000x128xf32, #tpu.memory_space<vmem_shared>> -> memref<80x128xf32, #tpu.memory_space<vmem_shared>>
          %dma_wait3A_73 = arith.constant 0 : i32
          %dma_wait3A_74 = arith.constant 0 : i32
          %dma_wait3A_75 = tpu.memref_slice %arg11[%dma_wait3A_73, %dma_wait3A_74] : memref<128x128xf32, #tpu.memory_space<vmem>> -> memref<80x128xf32, #tpu.memory_space<vmem>>
          tpu.wait_dma2 semaphore(%run_scoped3A : memref<!tpu.dma_semaphore, #tpu.memory_space<semaphore_mem>>) src(%dma_wait3A_75 : memref<80x128xf32, #tpu.memory_space<vmem>>) dst(%dma_wait3A_72 : memref<80x128xf32, #tpu.memory_space<vmem_shared>>)
          tpu.yield
        }) : () -> ()
      } else {
      }
    }
    %scan3A_31 = arith.constant 8 : i32
    %barrier3A = arith.constant 0 : index
    tpu.barrier barrier_id(%barrier3A)
    %scan3A_32 = arith.constant 0 : i32
    %scan3A_33 = arith.constant 20 : i32
    %scan3A_34 = arith.addi %scan3A_32, %scan3A_33 : i32
    %scan3A_35 = arith.constant 1 : i32
    scf.for %scan3A_43 = %scan3A_32 to %scan3A_34 step %scan3A_35  : i32 {
      %mul3A_44 = arith.constant 4 : i32
      %mul3A_45 = arith.muli %scan3A_43, %mul3A_44 : i32
      %add3A_46 = arith.constant 0 : i32
      %add3A_47 = arith.addi %add3A_46, %mul3A_45 : i32
      %mul3A_48 = arith.constant 16 : i32
      %mul3A_49 = arith.muli %add3A_47, %mul3A_48 : i32
      %add3A_50 = arith.addi %arg1, %mul3A_49 : i32
      %add3A_51 = arith.constant 32 : i32
      %add3A_52 = arith.addi %add3A_50, %add3A_51 : i32
      %lt3A_53 = arith.constant 1250 : i32
      %lt3A_54 = arith.cmpi slt, %add3A_52, %lt3A_53 : i32
      %convert_element_type3A_55 = arith.extui %lt3A_54 : i1 to i32
      %cond3A_56 = arith.constant 0 : i32
      %cond3A_57 = arith.cmpi ne, %convert_element_type3A_55, %cond3A_56 : i32
      scf.if %cond3A_57 {
        %mul3A_133 = arith.constant 1250 : i32
        %mul3A_134 = arith.muli %arg0, %mul3A_133 : i32
        %add3A_135 = arith.addi %mul3A_134, %add3A_52 : i32
        %dma_start3A = arith.constant 0 : i32
        %dma_start3A_136 = arith.constant 0 : i32
        %dma_start3A_137 = tpu.memref_slice %arg3[%add3A_135, %dma_start3A, %dma_start3A_136] : memref<2500x8x128xi32, #tpu.memory_space<hbm>> -> memref<1x8x128xi32, #tpu.memory_space<hbm>>
        %dma_start3A_138 = tpu.memref_squeeze %dma_start3A_137 : memref<1x8x128xi32, #tpu.memory_space<hbm>> -> memref<8x128xi32, #tpu.memory_space<hbm>>
        %dma_start3A_139 = arith.constant 0 : i32
        %dma_start3A_140 = arith.constant 0 : i32
        %dma_start3A_141 = tpu.memref_slice %arg3[%add3A_135, %dma_start3A_139, %dma_start3A_140] : memref<2500x8x128xi32, #tpu.memory_space<hbm>> -> memref<1x8x128xi32, #tpu.memory_space<hbm>>
        %dma_start3A_142 = tpu.memref_squeeze %dma_start3A_141 : memref<1x8x128xi32, #tpu.memory_space<hbm>> -> memref<8x128xi32, #tpu.memory_space<hbm>>
        tpu.enqueue_dma source(%dma_start3A_142 : memref<8x128xi32, #tpu.memory_space<hbm>>) target(%arg8 : memref<8x128xi32, #tpu.memory_space<vmem>>) target_semaphore(%arg18 : memref<!tpu.dma_semaphore, #tpu.memory_space<semaphore_mem>>)
      } else {
      }
      %add3A_58 = arith.constant 48 : i32
      %add3A_59 = arith.addi %add3A_50, %add3A_58 : i32
      %lt3A_60 = arith.constant 1250 : i32
      %lt3A_61 = arith.cmpi slt, %add3A_59, %lt3A_60 : i32
      %convert_element_type3A_62 = arith.extui %lt3A_61 : i1 to i32
      %cond3A_63 = arith.constant 0 : i32
      %cond3A_64 = arith.cmpi ne, %convert_element_type3A_62, %cond3A_63 : i32
      scf.if %cond3A_64 {
        %mul3A_133 = arith.constant 1250 : i32
        %mul3A_134 = arith.muli %arg0, %mul3A_133 : i32
        %add3A_135 = arith.addi %mul3A_134, %add3A_59 : i32
        %dma_start3A = arith.constant 0 : i32
        %dma_start3A_136 = arith.constant 0 : i32
        %dma_start3A_137 = tpu.memref_slice %arg3[%add3A_135, %dma_start3A, %dma_start3A_136] : memref<2500x8x128xi32, #tpu.memory_space<hbm>> -> memref<1x8x128xi32, #tpu.memory_space<hbm>>
        %dma_start3A_138 = tpu.memref_squeeze %dma_start3A_137 : memref<1x8x128xi32, #tpu.memory_space<hbm>> -> memref<8x128xi32, #tpu.memory_space<hbm>>
        %dma_start3A_139 = arith.constant 0 : i32
        %dma_start3A_140 = arith.constant 0 : i32
        %dma_start3A_141 = tpu.memref_slice %arg3[%add3A_135, %dma_start3A_139, %dma_start3A_140] : memref<2500x8x128xi32, #tpu.memory_space<hbm>> -> memref<1x8x128xi32, #tpu.memory_space<hbm>>
        %dma_start3A_142 = tpu.memref_squeeze %dma_start3A_141 : memref<1x8x128xi32, #tpu.memory_space<hbm>> -> memref<8x128xi32, #tpu.memory_space<hbm>>
        tpu.enqueue_dma source(%dma_start3A_142 : memref<8x128xi32, #tpu.memory_space<hbm>>) target(%arg9 : memref<8x128xi32, #tpu.memory_space<vmem>>) target_semaphore(%arg19 : memref<!tpu.dma_semaphore, #tpu.memory_space<semaphore_mem>>)
      } else {
      }
      %add3A_65 = arith.constant 16 : i32
      %add3A_66 = arith.addi %add3A_50, %add3A_65 : i32
      %lt3A_67 = arith.constant 1250 : i32
      %lt3A_68 = arith.cmpi slt, %add3A_66, %lt3A_67 : i32
      %convert_element_type3A_69 = arith.extui %lt3A_68 : i1 to i32
      %cond3A_70 = arith.constant 0 : i32
      %cond3A_71 = arith.cmpi ne, %convert_element_type3A_69, %cond3A_70 : i32
      scf.if %cond3A_71 {
        %mul3A_133 = arith.constant 1250 : i32
        %mul3A_134 = arith.muli %arg0, %mul3A_133 : i32
        %add3A_135 = arith.addi %mul3A_134, %add3A_66 : i32
        %dma_wait3A = arith.constant 0 : i32
        %dma_wait3A_136 = arith.constant 0 : i32
        %dma_wait3A_137 = tpu.memref_slice %arg3[%add3A_135, %dma_wait3A, %dma_wait3A_136] : memref<2500x8x128xi32, #tpu.memory_space<hbm>> -> memref<1x8x128xi32, #tpu.memory_space<hbm>>
        %dma_wait3A_138 = tpu.memref_squeeze %dma_wait3A_137 : memref<1x8x128xi32, #tpu.memory_space<hbm>> -> memref<8x128xi32, #tpu.memory_space<hbm>>
        %dma_wait3A_139 = arith.constant 0 : i32
        %dma_wait3A_140 = arith.constant 0 : i32
        %dma_wait3A_141 = tpu.memref_slice %arg3[%add3A_135, %dma_wait3A_139, %dma_wait3A_140] : memref<2500x8x128xi32, #tpu.memory_space<hbm>> -> memref<1x8x128xi32, #tpu.memory_space<hbm>>
        %dma_wait3A_142 = tpu.memref_squeeze %dma_wait3A_141 : memref<1x8x128xi32, #tpu.memory_space<hbm>> -> memref<8x128xi32, #tpu.memory_space<hbm>>
        tpu.wait_dma2 semaphore(%arg17 : memref<!tpu.dma_semaphore, #tpu.memory_space<semaphore_mem>>) src(%dma_wait3A_142 : memref<8x128xi32, #tpu.memory_space<hbm>>) dst(%arg7 : memref<8x128xi32, #tpu.memory_space<vmem>>)
        %dma_start3A = arith.constant 0 : i32
        %dma_start3A_143 = arith.constant 0 : i32
        %dma_start3A_144 = tpu.memref_slice %arg7[%dma_start3A, %dma_start3A_143] : memref<8x128xi32, #tpu.memory_space<vmem>> -> memref<1x128xi32, #tpu.memory_space<vmem>>
        %dma_start3A_145 = tpu.memref_squeeze %dma_start3A_144 : memref<1x128xi32, #tpu.memory_space<vmem>> -> memref<128xi32, #tpu.memory_space<vmem>>
        %dma_start3A_146 = arith.constant 0 : i32
        %dma_start3A_147 = arith.constant 0 : i32
        %dma_start3A_148 = tpu.memref_slice %arg2[%dma_start3A_146, %dma_start3A_147] : memref<10000x128xf32, #tpu.memory_space<hbm>> -> memref<10000x128xf32, #tpu.memory_space<hbm>>
        tpu.enqueue_indirect_dma source(%dma_start3A_148 : memref<10000x128xf32, #tpu.memory_space<hbm>>) target(%arg11 : memref<128x128xf32, #tpu.memory_space<vmem>>) offsets(%dma_start3A_145 : memref<128xi32, #tpu.memory_space<vmem>>) semaphore(%arg15 : memref<!tpu.dma_semaphore, #tpu.memory_space<semaphore_mem>>)
      } else {
      }
      %lt3A_72 = arith.constant 1250 : i32
      %lt3A_73 = arith.cmpi slt, %add3A_50, %lt3A_72 : i32
      %convert_element_type3A_74 = arith.extui %lt3A_73 : i1 to i32
      %cond3A_75 = arith.constant 0 : i32
      %cond3A_76 = arith.cmpi ne, %convert_element_type3A_74, %cond3A_75 : i32
      scf.if %cond3A_76 {
        %scan3A_133 = arith.constant 0 : i32
        %scan3A_134 = arith.constant 8 : i32
        %scan3A_135 = arith.addi %scan3A_133, %scan3A_134 : i32
        %scan3A_136 = arith.constant 1 : i32
        scf.for %scan3A_144 = %scan3A_133 to %scan3A_135 step %scan3A_136  : i32 {
          %mul3A_145 = arith.constant 16 : i32
          %mul3A_146 = arith.muli %scan3A_144, %mul3A_145 : i32
          %add3A_147 = arith.constant 0 : i32
          %add3A_148 = arith.addi %add3A_147, %mul3A_146 : i32
          %get3A = arith.constant 1 : i32
          %get3A_149 = arith.index_cast %get3A : i32 to index
          %get3A_150 = arith.index_cast %add3A_148 : i32 to index
          %get3A_151 = tpu.vector_load %arg6[%get3A_149, %get3A_150] {strides = array<i32>} : memref<8x128xi32, #tpu.memory_space<vmem>>, vector<16xi32>,
          tpu.vector_store_idx %arg12[%get3A_151], %broadcast_in_dim3A_2 {add = true} : memref<10000xf32, #tpu.memory_space<vmem>>[vector<16xi32>], vector<16xf32>,
        }
        %scan3A_137 = arith.constant 8 : i32
        %dma_wait3A = arith.constant 0 : i32
        %dma_wait3A_138 = arith.constant 0 : i32
        %dma_wait3A_139 = tpu.memref_slice %arg6[%dma_wait3A, %dma_wait3A_138] : memref<8x128xi32, #tpu.memory_space<vmem>> -> memref<1x128xi32, #tpu.memory_space<vmem>>
        %dma_wait3A_140 = tpu.memref_squeeze %dma_wait3A_139 : memref<1x128xi32, #tpu.memory_space<vmem>> -> memref<128xi32, #tpu.memory_space<vmem>>
        %dma_wait3A_141 = arith.constant 0 : i32
        %dma_wait3A_142 = arith.constant 0 : i32
        %dma_wait3A_143 = tpu.memref_slice %arg2[%dma_wait3A_141, %dma_wait3A_142] : memref<10000x128xf32, #tpu.memory_space<hbm>> -> memref<10000x128xf32, #tpu.memory_space<hbm>>
        tpu.wait_indirect_dma semaphore(%arg14 : memref<!tpu.dma_semaphore, #tpu.memory_space<semaphore_mem>>) src(%dma_wait3A_143 : memref<10000x128xf32, #tpu.memory_space<hbm>>) dst(%arg10 : memref<128x128xf32, #tpu.memory_space<vmem>>)
        %run_scoped3A = arith.constant 1 : i32
        "tpu.region"() ({
          %run_scoped3A_144 = tpu.sem_alloc : memref<!tpu.dma_semaphore, #tpu.memory_space<semaphore_mem>>
          %dma_start3A = arith.constant 0 : i32
          %dma_start3A_145 = tpu.memref_slice %arg6[%run_scoped3A, %dma_start3A] : memref<8x128xi32, #tpu.memory_space<vmem>> -> memref<1x128xi32, #tpu.memory_space<vmem>>
          %dma_start3A_146 = tpu.memref_squeeze %dma_start3A_145 : memref<1x128xi32, #tpu.memory_space<vmem>> -> memref<128xi32, #tpu.memory_space<vmem>>
          %dma_start3A_147 = arith.constant 0 : i32
          %dma_start3A_148 = arith.constant 0 : i32
          %dma_start3A_149 = tpu.memref_slice %arg13[%dma_start3A_147, %dma_start3A_148] : memref<10000x128xf32, #tpu.memory_space<vmem_shared>> -> memref<10000x128xf32, #tpu.memory_space<vmem_shared>>
          tpu.enqueue_indirect_dma source(%arg10 : memref<128x128xf32, #tpu.memory_space<vmem>>) target(%dma_start3A_149 : memref<10000x128xf32, #tpu.memory_space<vmem_shared>>) offsets(%dma_start3A_146 : memref<128xi32, #tpu.memory_space<vmem>>) semaphore(%run_scoped3A_144 : memref<!tpu.dma_semaphore, #tpu.memory_space<semaphore_mem>>) {add = true}
          %dma_wait3A_150 = arith.constant 0 : i32
          %dma_wait3A_151 = tpu.memref_slice %arg6[%run_scoped3A, %dma_wait3A_150] : memref<8x128xi32, #tpu.memory_space<vmem>> -> memref<1x128xi32, #tpu.memory_space<vmem>>
          %dma_wait3A_152 = tpu.memref_squeeze %dma_wait3A_151 : memref<1x128xi32, #tpu.memory_space<vmem>> -> memref<128xi32, #tpu.memory_space<vmem>>
          %dma_wait3A_153 = arith.constant 0 : i32
          %dma_wait3A_154 = arith.constant 0 : i32
          %dma_wait3A_155 = tpu.memref_slice %arg13[%dma_wait3A_153, %dma_wait3A_154] : memref<10000x128xf32, #tpu.memory_space<vmem_shared>> -> memref<10000x128xf32, #tpu.memory_space<vmem_shared>>
          tpu.wait_indirect_dma semaphore(%run_scoped3A_144 : memref<!tpu.dma_semaphore, #tpu.memory_space<semaphore_mem>>) src(%arg10 : memref<128x128xf32, #tpu.memory_space<vmem>>) dst(%dma_wait3A_155 : memref<10000x128xf32, #tpu.memory_space<vmem_shared>>)
          tpu.yield
        }) : () -> ()
      } else {
      }
      %add3A_77 = arith.constant 32 : i32
      %add3A_78 = arith.addi %add3A_50, %add3A_77 : i32
      %lt3A_79 = arith.constant 1250 : i32
      %lt3A_80 = arith.cmpi slt, %add3A_78, %lt3A_79 : i32
      %convert_element_type3A_81 = arith.extui %lt3A_80 : i1 to i32
      %cond3A_82 = arith.constant 0 : i32
      %cond3A_83 = arith.cmpi ne, %convert_element_type3A_81, %cond3A_82 : i32
      scf.if %cond3A_83 {
        %mul3A_133 = arith.constant 1250 : i32
        %mul3A_134 = arith.muli %arg0, %mul3A_133 : i32
        %add3A_135 = arith.addi %mul3A_134, %add3A_78 : i32
        %dma_wait3A = arith.constant 0 : i32
        %dma_wait3A_136 = arith.constant 0 : i32
        %dma_wait3A_137 = tpu.memref_slice %arg3[%add3A_135, %dma_wait3A, %dma_wait3A_136] : memref<2500x8x128xi32, #tpu.memory_space<hbm>> -> memref<1x8x128xi32, #tpu.memory_space<hbm>>
        %dma_wait3A_138 = tpu.memref_squeeze %dma_wait3A_137 : memref<1x8x128xi32, #tpu.memory_space<hbm>> -> memref<8x128xi32, #tpu.memory_space<hbm>>
        %dma_wait3A_139 = arith.constant 0 : i32
        %dma_wait3A_140 = arith.constant 0 : i32
        %dma_wait3A_141 = tpu.memref_slice %arg3[%add3A_135, %dma_wait3A_139, %dma_wait3A_140] : memref<2500x8x128xi32, #tpu.memory_space<hbm>> -> memref<1x8x128xi32, #tpu.memory_space<hbm>>
        %dma_wait3A_142 = tpu.memref_squeeze %dma_wait3A_141 : memref<1x8x128xi32, #tpu.memory_space<hbm>> -> memref<8x128xi32, #tpu.memory_space<hbm>>
        tpu.wait_dma2 semaphore(%arg18 : memref<!tpu.dma_semaphore, #tpu.memory_space<semaphore_mem>>) src(%dma_wait3A_142 : memref<8x128xi32, #tpu.memory_space<hbm>>) dst(%arg8 : memref<8x128xi32, #tpu.memory_space<vmem>>)
        %dma_start3A = arith.constant 0 : i32
        %dma_start3A_143 = arith.constant 0 : i32
        %dma_start3A_144 = tpu.memref_slice %arg8[%dma_start3A, %dma_start3A_143] : memref<8x128xi32, #tpu.memory_space<vmem>> -> memref<1x128xi32, #tpu.memory_space<vmem>>
        %dma_start3A_145 = tpu.memref_squeeze %dma_start3A_144 : memref<1x128xi32, #tpu.memory_space<vmem>> -> memref<128xi32, #tpu.memory_space<vmem>>
        %dma_start3A_146 = arith.constant 0 : i32
        %dma_start3A_147 = arith.constant 0 : i32
        %dma_start3A_148 = tpu.memref_slice %arg2[%dma_start3A_146, %dma_start3A_147] : memref<10000x128xf32, #tpu.memory_space<hbm>> -> memref<10000x128xf32, #tpu.memory_space<hbm>>
        tpu.enqueue_indirect_dma source(%dma_start3A_148 : memref<10000x128xf32, #tpu.memory_space<hbm>>) target(%arg10 : memref<128x128xf32, #tpu.memory_space<vmem>>) offsets(%dma_start3A_145 : memref<128xi32, #tpu.memory_space<vmem>>) semaphore(%arg14 : memref<!tpu.dma_semaphore, #tpu.memory_space<semaphore_mem>>)
      } else {
      }
      %add3A_84 = arith.constant 16 : i32
      %add3A_85 = arith.addi %add3A_50, %add3A_84 : i32
      %lt3A_86 = arith.constant 1250 : i32
      %lt3A_87 = arith.cmpi slt, %add3A_85, %lt3A_86 : i32
      %convert_element_type3A_88 = arith.extui %lt3A_87 : i1 to i32
      %cond3A_89 = arith.constant 0 : i32
      %cond3A_90 = arith.cmpi ne, %convert_element_type3A_88, %cond3A_89 : i32
      scf.if %cond3A_90 {
        %scan3A_133 = arith.constant 0 : i32
        %scan3A_134 = arith.constant 8 : i32
        %scan3A_135 = arith.addi %scan3A_133, %scan3A_134 : i32
        %scan3A_136 = arith.constant 1 : i32
        scf.for %scan3A_144 = %scan3A_133 to %scan3A_135 step %scan3A_136  : i32 {
          %mul3A_145 = arith.constant 16 : i32
          %mul3A_146 = arith.muli %scan3A_144, %mul3A_145 : i32
          %add3A_147 = arith.constant 0 : i32
          %add3A_148 = arith.addi %add3A_147, %mul3A_146 : i32
          %get3A = arith.constant 1 : i32
          %get3A_149 = arith.index_cast %get3A : i32 to index
          %get3A_150 = arith.index_cast %add3A_148 : i32 to index
          %get3A_151 = tpu.vector_load %arg7[%get3A_149, %get3A_150] {strides = array<i32>} : memref<8x128xi32, #tpu.memory_space<vmem>>, vector<16xi32>,
          tpu.vector_store_idx %arg12[%get3A_151], %broadcast_in_dim3A_2 {add = true} : memref<10000xf32, #tpu.memory_space<vmem>>[vector<16xi32>], vector<16xf32>,
        }
        %scan3A_137 = arith.constant 8 : i32
        %dma_wait3A = arith.constant 0 : i32
        %dma_wait3A_138 = arith.constant 0 : i32
        %dma_wait3A_139 = tpu.memref_slice %arg7[%dma_wait3A, %dma_wait3A_138] : memref<8x128xi32, #tpu.memory_space<vmem>> -> memref<1x128xi32, #tpu.memory_space<vmem>>
        %dma_wait3A_140 = tpu.memref_squeeze %dma_wait3A_139 : memref<1x128xi32, #tpu.memory_space<vmem>> -> memref<128xi32, #tpu.memory_space<vmem>>
        %dma_wait3A_141 = arith.constant 0 : i32
        %dma_wait3A_142 = arith.constant 0 : i32
        %dma_wait3A_143 = tpu.memref_slice %arg2[%dma_wait3A_141, %dma_wait3A_142] : memref<10000x128xf32, #tpu.memory_space<hbm>> -> memref<10000x128xf32, #tpu.memory_space<hbm>>
        tpu.wait_indirect_dma semaphore(%arg15 : memref<!tpu.dma_semaphore, #tpu.memory_space<semaphore_mem>>) src(%dma_wait3A_143 : memref<10000x128xf32, #tpu.memory_space<hbm>>) dst(%arg11 : memref<128x128xf32, #tpu.memory_space<vmem>>)
        %run_scoped3A = arith.constant 1 : i32
        "tpu.region"() ({
          %run_scoped3A_144 = tpu.sem_alloc : memref<!tpu.dma_semaphore, #tpu.memory_space<semaphore_mem>>
          %dma_start3A = arith.constant 0 : i32
          %dma_start3A_145 = tpu.memref_slice %arg7[%run_scoped3A, %dma_start3A] : memref<8x128xi32, #tpu.memory_space<vmem>> -> memref<1x128xi32, #tpu.memory_space<vmem>>
          %dma_start3A_146 = tpu.memref_squeeze %dma_start3A_145 : memref<1x128xi32, #tpu.memory_space<vmem>> -> memref<128xi32, #tpu.memory_space<vmem>>
          %dma_start3A_147 = arith.constant 0 : i32
          %dma_start3A_148 = arith.constant 0 : i32
          %dma_start3A_149 = tpu.memref_slice %arg13[%dma_start3A_147, %dma_start3A_148] : memref<10000x128xf32, #tpu.memory_space<vmem_shared>> -> memref<10000x128xf32, #tpu.memory_space<vmem_shared>>
          tpu.enqueue_indirect_dma source(%arg11 : memref<128x128xf32, #tpu.memory_space<vmem>>) target(%dma_start3A_149 : memref<10000x128xf32, #tpu.memory_space<vmem_shared>>) offsets(%dma_start3A_146 : memref<128xi32, #tpu.memory_space<vmem>>) semaphore(%run_scoped3A_144 : memref<!tpu.dma_semaphore, #tpu.memory_space<semaphore_mem>>) {add = true}
          %dma_wait3A_150 = arith.constant 0 : i32
          %dma_wait3A_151 = tpu.memref_slice %arg7[%run_scoped3A, %dma_wait3A_150] : memref<8x128xi32, #tpu.memory_space<vmem>> -> memref<1x128xi32, #tpu.memory_space<vmem>>
          %dma_wait3A_152 = tpu.memref_squeeze %dma_wait3A_151 : memref<1x128xi32, #tpu.memory_space<vmem>> -> memref<128xi32, #tpu.memory_space<vmem>>
          %dma_wait3A_153 = arith.constant 0 : i32
          %dma_wait3A_154 = arith.constant 0 : i32
          %dma_wait3A_155 = tpu.memref_slice %arg13[%dma_wait3A_153, %dma_wait3A_154] : memref<10000x128xf32, #tpu.memory_space<vmem_shared>> -> memref<10000x128xf32, #tpu.memory_space<vmem_shared>>
          tpu.wait_indirect_dma semaphore(%run_scoped3A_144 : memref<!tpu.dma_semaphore, #tpu.memory_space<semaphore_mem>>) src(%arg11 : memref<128x128xf32, #tpu.memory_space<vmem>>) dst(%dma_wait3A_155 : memref<10000x128xf32, #tpu.memory_space<vmem_shared>>)
          tpu.yield
        }) : () -> ()
      } else {
      }
      %add3A_91 = arith.constant 64 : i32
      %add3A_92 = arith.addi %add3A_50, %add3A_91 : i32
      %lt3A_93 = arith.constant 1250 : i32
      %lt3A_94 = arith.cmpi slt, %add3A_92, %lt3A_93 : i32
      %convert_element_type3A_95 = arith.extui %lt3A_94 : i1 to i32
      %cond3A_96 = arith.constant 0 : i32
      %cond3A_97 = arith.cmpi ne, %convert_element_type3A_95, %cond3A_96 : i32
      scf.if %cond3A_97 {
        %mul3A_133 = arith.constant 1250 : i32
        %mul3A_134 = arith.muli %arg0, %mul3A_133 : i32
        %add3A_135 = arith.addi %mul3A_134, %add3A_92 : i32
        %dma_start3A = arith.constant 0 : i32
        %dma_start3A_136 = arith.constant 0 : i32
        %dma_start3A_137 = tpu.memref_slice %arg3[%add3A_135, %dma_start3A, %dma_start3A_136] : memref<2500x8x128xi32, #tpu.memory_space<hbm>> -> memref<1x8x128xi32, #tpu.memory_space<hbm>>
        %dma_start3A_138 = tpu.memref_squeeze %dma_start3A_137 : memref<1x8x128xi32, #tpu.memory_space<hbm>> -> memref<8x128xi32, #tpu.memory_space<hbm>>
        %dma_start3A_139 = arith.constant 0 : i32
        %dma_start3A_140 = arith.constant 0 : i32
        %dma_start3A_141 = tpu.memref_slice %arg3[%add3A_135, %dma_start3A_139, %dma_start3A_140] : memref<2500x8x128xi32, #tpu.memory_space<hbm>> -> memref<1x8x128xi32, #tpu.memory_space<hbm>>
        %dma_start3A_142 = tpu.memref_squeeze %dma_start3A_141 : memref<1x8x128xi32, #tpu.memory_space<hbm>> -> memref<8x128xi32, #tpu.memory_space<hbm>>
        tpu.enqueue_dma source(%dma_start3A_142 : memref<8x128xi32, #tpu.memory_space<hbm>>) target(%arg6 : memref<8x128xi32, #tpu.memory_space<vmem>>) target_semaphore(%arg16 : memref<!tpu.dma_semaphore, #tpu.memory_space<semaphore_mem>>)
      } else {
      }
      %add3A_98 = arith.constant 80 : i32
      %add3A_99 = arith.addi %add3A_50, %add3A_98 : i32
      %lt3A_100 = arith.constant 1250 : i32
      %lt3A_101 = arith.cmpi slt, %add3A_99, %lt3A_100 : i32
      %convert_element_type3A_102 = arith.extui %lt3A_101 : i1 to i32
      %cond3A_103 = arith.constant 0 : i32
      %cond3A_104 = arith.cmpi ne, %convert_element_type3A_102, %cond3A_103 : i32
      scf.if %cond3A_104 {
        %mul3A_133 = arith.constant 1250 : i32
        %mul3A_134 = arith.muli %arg0, %mul3A_133 : i32
        %add3A_135 = arith.addi %mul3A_134, %add3A_99 : i32
        %dma_start3A = arith.constant 0 : i32
        %dma_start3A_136 = arith.constant 0 : i32
        %dma_start3A_137 = tpu.memref_slice %arg3[%add3A_135, %dma_start3A, %dma_start3A_136] : memref<2500x8x128xi32, #tpu.memory_space<hbm>> -> memref<1x8x128xi32, #tpu.memory_space<hbm>>
        %dma_start3A_138 = tpu.memref_squeeze %dma_start3A_137 : memref<1x8x128xi32, #tpu.memory_space<hbm>> -> memref<8x128xi32, #tpu.memory_space<hbm>>
        %dma_start3A_139 = arith.constant 0 : i32
        %dma_start3A_140 = arith.constant 0 : i32
        %dma_start3A_141 = tpu.memref_slice %arg3[%add3A_135, %dma_start3A_139, %dma_start3A_140] : memref<2500x8x128xi32, #tpu.memory_space<hbm>> -> memref<1x8x128xi32, #tpu.memory_space<hbm>>
        %dma_start3A_142 = tpu.memref_squeeze %dma_start3A_141 : memref<1x8x128xi32, #tpu.memory_space<hbm>> -> memref<8x128xi32, #tpu.memory_space<hbm>>
        tpu.enqueue_dma source(%dma_start3A_142 : memref<8x128xi32, #tpu.memory_space<hbm>>) target(%arg7 : memref<8x128xi32, #tpu.memory_space<vmem>>) target_semaphore(%arg17 : memref<!tpu.dma_semaphore, #tpu.memory_space<semaphore_mem>>)
      } else {
      }
      %add3A_105 = arith.constant 48 : i32
      %add3A_106 = arith.addi %add3A_50, %add3A_105 : i32
      %lt3A_107 = arith.constant 1250 : i32
      %lt3A_108 = arith.cmpi slt, %add3A_106, %lt3A_107 : i32
      %convert_element_type3A_109 = arith.extui %lt3A_108 : i1 to i32
      %cond3A_110 = arith.constant 0 : i32
      %cond3A_111 = arith.cmpi ne, %convert_element_type3A_109, %cond3A_110 : i32
      scf.if %cond3A_111 {
        %mul3A_133 = arith.constant 1250 : i32
        %mul3A_134 = arith.muli %arg0, %mul3A_133 : i32
        %add3A_135 = arith.addi %mul3A_134, %add3A_106 : i32
        %dma_wait3A = arith.constant 0 : i32
        %dma_wait3A_136 = arith.constant 0 : i32
        %dma_wait3A_137 = tpu.memref_slice %arg3[%add3A_135, %dma_wait3A, %dma_wait3A_136] : memref<2500x8x128xi32, #tpu.memory_space<hbm>> -> memref<1x8x128xi32, #tpu.memory_space<hbm>>
        %dma_wait3A_138 = tpu.memref_squeeze %dma_wait3A_137 : memref<1x8x128xi32, #tpu.memory_space<hbm>> -> memref<8x128xi32, #tpu.memory_space<hbm>>
        %dma_wait3A_139 = arith.constant 0 : i32
        %dma_wait3A_140 = arith.constant 0 : i32
        %dma_wait3A_141 = tpu.memref_slice %arg3[%add3A_135, %dma_wait3A_139, %dma_wait3A_140] : memref<2500x8x128xi32, #tpu.memory_space<hbm>> -> memref<1x8x128xi32, #tpu.memory_space<hbm>>
        %dma_wait3A_142 = tpu.memref_squeeze %dma_wait3A_141 : memref<1x8x128xi32, #tpu.memory_space<hbm>> -> memref<8x128xi32, #tpu.memory_space<hbm>>
        tpu.wait_dma2 semaphore(%arg19 : memref<!tpu.dma_semaphore, #tpu.memory_space<semaphore_mem>>) src(%dma_wait3A_142 : memref<8x128xi32, #tpu.memory_space<hbm>>) dst(%arg9 : memref<8x128xi32, #tpu.memory_space<vmem>>)
        %dma_start3A = arith.constant 0 : i32
        %dma_start3A_143 = arith.constant 0 : i32
        %dma_start3A_144 = tpu.memref_slice %arg9[%dma_start3A, %dma_start3A_143] : memref<8x128xi32, #tpu.memory_space<vmem>> -> memref<1x128xi32, #tpu.memory_space<vmem>>
        %dma_start3A_145 = tpu.memref_squeeze %dma_start3A_144 : memref<1x128xi32, #tpu.memory_space<vmem>> -> memref<128xi32, #tpu.memory_space<vmem>>
        %dma_start3A_146 = arith.constant 0 : i32
        %dma_start3A_147 = arith.constant 0 : i32
        %dma_start3A_148 = tpu.memref_slice %arg2[%dma_start3A_146, %dma_start3A_147] : memref<10000x128xf32, #tpu.memory_space<hbm>> -> memref<10000x128xf32, #tpu.memory_space<hbm>>
        tpu.enqueue_indirect_dma source(%dma_start3A_148 : memref<10000x128xf32, #tpu.memory_space<hbm>>) target(%arg11 : memref<128x128xf32, #tpu.memory_space<vmem>>) offsets(%dma_start3A_145 : memref<128xi32, #tpu.memory_space<vmem>>) semaphore(%arg15 : memref<!tpu.dma_semaphore, #tpu.memory_space<semaphore_mem>>)
      } else {
      }
      %add3A_112 = arith.constant 32 : i32
      %add3A_113 = arith.addi %add3A_50, %add3A_112 : i32
      %lt3A_114 = arith.constant 1250 : i32
      %lt3A_115 = arith.cmpi slt, %add3A_113, %lt3A_114 : i32
      %convert_element_type3A_116 = arith.extui %lt3A_115 : i1 to i32
      %cond3A_117 = arith.constant 0 : i32
      %cond3A_118 = arith.cmpi ne, %convert_element_type3A_116, %cond3A_117 : i32
      scf.if %cond3A_118 {
        %scan3A_133 = arith.constant 0 : i32
        %scan3A_134 = arith.constant 8 : i32
        %scan3A_135 = arith.addi %scan3A_133, %scan3A_134 : i32
        %scan3A_136 = arith.constant 1 : i32
        scf.for %scan3A_144 = %scan3A_133 to %scan3A_135 step %scan3A_136  : i32 {
          %mul3A_145 = arith.constant 16 : i32
          %mul3A_146 = arith.muli %scan3A_144, %mul3A_145 : i32
          %add3A_147 = arith.constant 0 : i32
          %add3A_148 = arith.addi %add3A_147, %mul3A_146 : i32
          %get3A = arith.constant 1 : i32
          %get3A_149 = arith.index_cast %get3A : i32 to index
          %get3A_150 = arith.index_cast %add3A_148 : i32 to index
          %get3A_151 = tpu.vector_load %arg8[%get3A_149, %get3A_150] {strides = array<i32>} : memref<8x128xi32, #tpu.memory_space<vmem>>, vector<16xi32>,
          tpu.vector_store_idx %arg12[%get3A_151], %broadcast_in_dim3A_2 {add = true} : memref<10000xf32, #tpu.memory_space<vmem>>[vector<16xi32>], vector<16xf32>,
        }
        %scan3A_137 = arith.constant 8 : i32
        %dma_wait3A = arith.constant 0 : i32
        %dma_wait3A_138 = arith.constant 0 : i32
        %dma_wait3A_139 = tpu.memref_slice %arg8[%dma_wait3A, %dma_wait3A_138] : memref<8x128xi32, #tpu.memory_space<vmem>> -> memref<1x128xi32, #tpu.memory_space<vmem>>
        %dma_wait3A_140 = tpu.memref_squeeze %dma_wait3A_139 : memref<1x128xi32, #tpu.memory_space<vmem>> -> memref<128xi32, #tpu.memory_space<vmem>>
        %dma_wait3A_141 = arith.constant 0 : i32
        %dma_wait3A_142 = arith.constant 0 : i32
        %dma_wait3A_143 = tpu.memref_slice %arg2[%dma_wait3A_141, %dma_wait3A_142] : memref<10000x128xf32, #tpu.memory_space<hbm>> -> memref<10000x128xf32, #tpu.memory_space<hbm>>
        tpu.wait_indirect_dma semaphore(%arg14 : memref<!tpu.dma_semaphore, #tpu.memory_space<semaphore_mem>>) src(%dma_wait3A_143 : memref<10000x128xf32, #tpu.memory_space<hbm>>) dst(%arg10 : memref<128x128xf32, #tpu.memory_space<vmem>>)
        %run_scoped3A = arith.constant 1 : i32
        "tpu.region"() ({
          %run_scoped3A_144 = tpu.sem_alloc : memref<!tpu.dma_semaphore, #tpu.memory_space<semaphore_mem>>
          %dma_start3A = arith.constant 0 : i32
          %dma_start3A_145 = tpu.memref_slice %arg8[%run_scoped3A, %dma_start3A] : memref<8x128xi32, #tpu.memory_space<vmem>> -> memref<1x128xi32, #tpu.memory_space<vmem>>
          %dma_start3A_146 = tpu.memref_squeeze %dma_start3A_145 : memref<1x128xi32, #tpu.memory_space<vmem>> -> memref<128xi32, #tpu.memory_space<vmem>>
          %dma_start3A_147 = arith.constant 0 : i32
          %dma_start3A_148 = arith.constant 0 : i32
          %dma_start3A_149 = tpu.memref_slice %arg13[%dma_start3A_147, %dma_start3A_148] : memref<10000x128xf32, #tpu.memory_space<vmem_shared>> -> memref<10000x128xf32, #tpu.memory_space<vmem_shared>>
          tpu.enqueue_indirect_dma source(%arg10 : memref<128x128xf32, #tpu.memory_space<vmem>>) target(%dma_start3A_149 : memref<10000x128xf32, #tpu.memory_space<vmem_shared>>) offsets(%dma_start3A_146 : memref<128xi32, #tpu.memory_space<vmem>>) semaphore(%run_scoped3A_144 : memref<!tpu.dma_semaphore, #tpu.memory_space<semaphore_mem>>) {add = true}
          %dma_wait3A_150 = arith.constant 0 : i32
          %dma_wait3A_151 = tpu.memref_slice %arg8[%run_scoped3A, %dma_wait3A_150] : memref<8x128xi32, #tpu.memory_space<vmem>> -> memref<1x128xi32, #tpu.memory_space<vmem>>
          %dma_wait3A_152 = tpu.memref_squeeze %dma_wait3A_151 : memref<1x128xi32, #tpu.memory_space<vmem>> -> memref<128xi32, #tpu.memory_space<vmem>>
          %dma_wait3A_153 = arith.constant 0 : i32
          %dma_wait3A_154 = arith.constant 0 : i32
          %dma_wait3A_155 = tpu.memref_slice %arg13[%dma_wait3A_153, %dma_wait3A_154] : memref<10000x128xf32, #tpu.memory_space<vmem_shared>> -> memref<10000x128xf32, #tpu.memory_space<vmem_shared>>
          tpu.wait_indirect_dma semaphore(%run_scoped3A_144 : memref<!tpu.dma_semaphore, #tpu.memory_space<semaphore_mem>>) src(%arg10 : memref<128x128xf32, #tpu.memory_space<vmem>>) dst(%dma_wait3A_155 : memref<10000x128xf32, #tpu.memory_space<vmem_shared>>)
          tpu.yield
        }) : () -> ()
      } else {
      }
      %add3A_119 = arith.constant 64 : i32
      %add3A_120 = arith.addi %add3A_50, %add3A_119 : i32
      %lt3A_121 = arith.constant 1250 : i32
      %lt3A_122 = arith.cmpi slt, %add3A_120, %lt3A_121 : i32
      %convert_element_type3A_123 = arith.extui %lt3A_122 : i1 to i32
      %cond3A_124 = arith.constant 0 : i32
      %cond3A_125 = arith.cmpi ne, %convert_element_type3A_123, %cond3A_124 : i32
      scf.if %cond3A_125 {
        %mul3A_133 = arith.constant 1250 : i32
        %mul3A_134 = arith.muli %arg0, %mul3A_133 : i32
        %add3A_135 = arith.addi %mul3A_134, %add3A_120 : i32
        %dma_wait3A = arith.constant 0 : i32
        %dma_wait3A_136 = arith.constant 0 : i32
        %dma_wait3A_137 = tpu.memref_slice %arg3[%add3A_135, %dma_wait3A, %dma_wait3A_136] : memref<2500x8x128xi32, #tpu.memory_space<hbm>> -> memref<1x8x128xi32, #tpu.memory_space<hbm>>
        %dma_wait3A_138 = tpu.memref_squeeze %dma_wait3A_137 : memref<1x8x128xi32, #tpu.memory_space<hbm>> -> memref<8x128xi32, #tpu.memory_space<hbm>>
        %dma_wait3A_139 = arith.constant 0 : i32
        %dma_wait3A_140 = arith.constant 0 : i32
        %dma_wait3A_141 = tpu.memref_slice %arg3[%add3A_135, %dma_wait3A_139, %dma_wait3A_140] : memref<2500x8x128xi32, #tpu.memory_space<hbm>> -> memref<1x8x128xi32, #tpu.memory_space<hbm>>
        %dma_wait3A_142 = tpu.memref_squeeze %dma_wait3A_141 : memref<1x8x128xi32, #tpu.memory_space<hbm>> -> memref<8x128xi32, #tpu.memory_space<hbm>>
        tpu.wait_dma2 semaphore(%arg16 : memref<!tpu.dma_semaphore, #tpu.memory_space<semaphore_mem>>) src(%dma_wait3A_142 : memref<8x128xi32, #tpu.memory_space<hbm>>) dst(%arg6 : memref<8x128xi32, #tpu.memory_space<vmem>>)
        %dma_start3A = arith.constant 0 : i32
        %dma_start3A_143 = arith.constant 0 : i32
        %dma_start3A_144 = tpu.memref_slice %arg6[%dma_start3A, %dma_start3A_143] : memref<8x128xi32, #tpu.memory_space<vmem>> -> memref<1x128xi32, #tpu.memory_space<vmem>>
        %dma_start3A_145 = tpu.memref_squeeze %dma_start3A_144 : memref<1x128xi32, #tpu.memory_space<vmem>> -> memref<128xi32, #tpu.memory_space<vmem>>
        %dma_start3A_146 = arith.constant 0 : i32
        %dma_start3A_147 = arith.constant 0 : i32
        %dma_start3A_148 = tpu.memref_slice %arg2[%dma_start3A_146, %dma_start3A_147] : memref<10000x128xf32, #tpu.memory_space<hbm>> -> memref<10000x128xf32, #tpu.memory_space<hbm>>
        tpu.enqueue_indirect_dma source(%dma_start3A_148 : memref<10000x128xf32, #tpu.memory_space<hbm>>) target(%arg10 : memref<128x128xf32, #tpu.memory_space<vmem>>) offsets(%dma_start3A_145 : memref<128xi32, #tpu.memory_space<vmem>>) semaphore(%arg14 : memref<!tpu.dma_semaphore, #tpu.memory_space<semaphore_mem>>)
      } else {
      }
      %add3A_126 = arith.constant 48 : i32
      %add3A_127 = arith.addi %add3A_50, %add3A_126 : i32
      %lt3A_128 = arith.constant 1250 : i32
      %lt3A_129 = arith.cmpi slt, %add3A_127, %lt3A_128 : i32
      %convert_element_type3A_130 = arith.extui %lt3A_129 : i1 to i32
      %cond3A_131 = arith.constant 0 : i32
      %cond3A_132 = arith.cmpi ne, %convert_element_type3A_130, %cond3A_131 : i32
      scf.if %cond3A_132 {
        %scan3A_133 = arith.constant 0 : i32
        %scan3A_134 = arith.constant 8 : i32
        %scan3A_135 = arith.addi %scan3A_133, %scan3A_134 : i32
        %scan3A_136 = arith.constant 1 : i32
        scf.for %scan3A_144 = %scan3A_133 to %scan3A_135 step %scan3A_136  : i32 {
          %mul3A_145 = arith.constant 16 : i32
          %mul3A_146 = arith.muli %scan3A_144, %mul3A_145 : i32
          %add3A_147 = arith.constant 0 : i32
          %add3A_148 = arith.addi %add3A_147, %mul3A_146 : i32
          %get3A = arith.constant 1 : i32
          %get3A_149 = arith.index_cast %get3A : i32 to index
          %get3A_150 = arith.index_cast %add3A_148 : i32 to index
          %get3A_151 = tpu.vector_load %arg9[%get3A_149, %get3A_150] {strides = array<i32>} : memref<8x128xi32, #tpu.memory_space<vmem>>, vector<16xi32>,
          tpu.vector_store_idx %arg12[%get3A_151], %broadcast_in_dim3A_2 {add = true} : memref<10000xf32, #tpu.memory_space<vmem>>[vector<16xi32>], vector<16xf32>,
        }
        %scan3A_137 = arith.constant 8 : i32
        %dma_wait3A = arith.constant 0 : i32
        %dma_wait3A_138 = arith.constant 0 : i32
        %dma_wait3A_139 = tpu.memref_slice %arg9[%dma_wait3A, %dma_wait3A_138] : memref<8x128xi32, #tpu.memory_space<vmem>> -> memref<1x128xi32, #tpu.memory_space<vmem>>
        %dma_wait3A_140 = tpu.memref_squeeze %dma_wait3A_139 : memref<1x128xi32, #tpu.memory_space<vmem>> -> memref<128xi32, #tpu.memory_space<vmem>>
        %dma_wait3A_141 = arith.constant 0 : i32
        %dma_wait3A_142 = arith.constant 0 : i32
        %dma_wait3A_143 = tpu.memref_slice %arg2[%dma_wait3A_141, %dma_wait3A_142] : memref<10000x128xf32, #tpu.memory_space<hbm>> -> memref<10000x128xf32, #tpu.memory_space<hbm>>
        tpu.wait_indirect_dma semaphore(%arg15 : memref<!tpu.dma_semaphore, #tpu.memory_space<semaphore_mem>>) src(%dma_wait3A_143 : memref<10000x128xf32, #tpu.memory_space<hbm>>) dst(%arg11 : memref<128x128xf32, #tpu.memory_space<vmem>>)
        %run_scoped3A = arith.constant 1 : i32
        "tpu.region"() ({
          %run_scoped3A_144 = tpu.sem_alloc : memref<!tpu.dma_semaphore, #tpu.memory_space<semaphore_mem>>
          %dma_start3A = arith.constant 0 : i32
          %dma_start3A_145 = tpu.memref_slice %arg9[%run_scoped3A, %dma_start3A] : memref<8x128xi32, #tpu.memory_space<vmem>> -> memref<1x128xi32, #tpu.memory_space<vmem>>
          %dma_start3A_146 = tpu.memref_squeeze %dma_start3A_145 : memref<1x128xi32, #tpu.memory_space<vmem>> -> memref<128xi32, #tpu.memory_space<vmem>>
          %dma_start3A_147 = arith.constant 0 : i32
          %dma_start3A_148 = arith.constant 0 : i32
          %dma_start3A_149 = tpu.memref_slice %arg13[%dma_start3A_147, %dma_start3A_148] : memref<10000x128xf32, #tpu.memory_space<vmem_shared>> -> memref<10000x128xf32, #tpu.memory_space<vmem_shared>>
          tpu.enqueue_indirect_dma source(%arg11 : memref<128x128xf32, #tpu.memory_space<vmem>>) target(%dma_start3A_149 : memref<10000x128xf32, #tpu.memory_space<vmem_shared>>) offsets(%dma_start3A_146 : memref<128xi32, #tpu.memory_space<vmem>>) semaphore(%run_scoped3A_144 : memref<!tpu.dma_semaphore, #tpu.memory_space<semaphore_mem>>) {add = true}
          %dma_wait3A_150 = arith.constant 0 : i32
          %dma_wait3A_151 = tpu.memref_slice %arg9[%run_scoped3A, %dma_wait3A_150] : memref<8x128xi32, #tpu.memory_space<vmem>> -> memref<1x128xi32, #tpu.memory_space<vmem>>
          %dma_wait3A_152 = tpu.memref_squeeze %dma_wait3A_151 : memref<1x128xi32, #tpu.memory_space<vmem>> -> memref<128xi32, #tpu.memory_space<vmem>>
          %dma_wait3A_153 = arith.constant 0 : i32
          %dma_wait3A_154 = arith.constant 0 : i32
          %dma_wait3A_155 = tpu.memref_slice %arg13[%dma_wait3A_153, %dma_wait3A_154] : memref<10000x128xf32, #tpu.memory_space<vmem_shared>> -> memref<10000x128xf32, #tpu.memory_space<vmem_shared>>
          tpu.wait_indirect_dma semaphore(%run_scoped3A_144 : memref<!tpu.dma_semaphore, #tpu.memory_space<semaphore_mem>>) src(%arg11 : memref<128x128xf32, #tpu.memory_space<vmem>>) dst(%dma_wait3A_155 : memref<10000x128xf32, #tpu.memory_space<vmem_shared>>)
          tpu.yield
        }) : () -> ()
      } else {
      }
    }
    %scan3A_36 = arith.constant 20 : i32
    %barrier3A_37 = arith.constant 0 : index
    tpu.barrier barrier_id(%barrier3A_37)
    "tpu.region"() ({
      %run_scoped3A = tpu.sem_alloc : memref<!tpu.dma_semaphore, #tpu.memory_space<semaphore_mem>>
      %dma_start3A = arith.constant 0 : i32
      %dma_start3A_43 = tpu.memref_slice %arg5[%add3A, %dma_start3A] : memref<32x10000xf32, #tpu.memory_space<hbm>> -> memref<1x10000xf32, #tpu.memory_space<hbm>>
      %dma_start3A_44 = tpu.memref_squeeze %dma_start3A_43 : memref<1x10000xf32, #tpu.memory_space<hbm>> -> memref<10000xf32, #tpu.memory_space<hbm>>
      %dma_start3A_45 = arith.constant 0 : i32
      %dma_start3A_46 = tpu.memref_slice %arg5[%add3A, %dma_start3A_45] : memref<32x10000xf32, #tpu.memory_space<hbm>> -> memref<1x10000xf32, #tpu.memory_space<hbm>>
      %dma_start3A_47 = tpu.memref_squeeze %dma_start3A_46 : memref<1x10000xf32, #tpu.memory_space<hbm>> -> memref<10000xf32, #tpu.memory_space<hbm>>
      tpu.enqueue_dma source(%arg12 : memref<10000xf32, #tpu.memory_space<vmem>>) target(%dma_start3A_47 : memref<10000xf32, #tpu.memory_space<hbm>>) target_semaphore(%run_scoped3A : memref<!tpu.dma_semaphore, #tpu.memory_space<semaphore_mem>>)
      %dma_wait3A = arith.constant 0 : i32
      %dma_wait3A_48 = tpu.memref_slice %arg5[%add3A, %dma_wait3A] : memref<32x10000xf32, #tpu.memory_space<hbm>> -> memref<1x10000xf32, #tpu.memory_space<hbm>>
      %dma_wait3A_49 = tpu.memref_squeeze %dma_wait3A_48 : memref<1x10000xf32, #tpu.memory_space<hbm>> -> memref<10000xf32, #tpu.memory_space<hbm>>
      %dma_wait3A_50 = arith.constant 0 : i32
      %dma_wait3A_51 = tpu.memref_slice %arg5[%add3A, %dma_wait3A_50] : memref<32x10000xf32, #tpu.memory_space<hbm>> -> memref<1x10000xf32, #tpu.memory_space<hbm>>
      %dma_wait3A_52 = tpu.memref_squeeze %dma_wait3A_51 : memref<1x10000xf32, #tpu.memory_space<hbm>> -> memref<10000xf32, #tpu.memory_space<hbm>>
      tpu.wait_dma2 semaphore(%run_scoped3A : memref<!tpu.dma_semaphore, #tpu.memory_space<semaphore_mem>>) src(%arg12 : memref<10000xf32, #tpu.memory_space<vmem>>) dst(%dma_wait3A_52 : memref<10000xf32, #tpu.memory_space<hbm>>)
      tpu.yield
    }) : () -> ()
    %scan3A_38 = arith.constant 0 : i32
    %scan3A_39 = arith.constant 8 : i32
    %scan3A_40 = arith.addi %scan3A_38, %scan3A_39 : i32
    %scan3A_41 = arith.constant 1 : i32
    scf.for %scan3A_43 = %scan3A_38 to %scan3A_40 step %scan3A_41  : i32 {
      %mul3A_44 = arith.constant 1 : i32
      %mul3A_45 = arith.muli %scan3A_43, %mul3A_44 : i32
      %add3A_46 = arith.constant 0 : i32
      %add3A_47 = arith.addi %add3A_46, %mul3A_45 : i32
      %mul3A_48 = arith.constant 16 : i32
      %mul3A_49 = arith.muli %add3A_47, %mul3A_48 : i32
      %add3A_50 = arith.addi %arg1, %mul3A_49 : i32
      %lt3A_51 = arith.constant 125 : i32
      %lt3A_52 = arith.cmpi slt, %add3A_50, %lt3A_51 : i32
      %convert_element_type3A_53 = arith.extui %lt3A_52 : i1 to i32
      %cond3A_54 = arith.constant 0 : i32
      %cond3A_55 = arith.cmpi ne, %convert_element_type3A_53, %cond3A_54 : i32
      scf.if %cond3A_55 {
        %mul3A_56 = arith.constant 80 : i32
        %mul3A_57 = arith.muli %add3A_50, %mul3A_56 : i32
        %mul3A_58 = arith.constant 80 : i32
        %mul3A_59 = arith.muli %add3A_50, %mul3A_58 : i32
        "tpu.region"() ({
          %run_scoped3A = tpu.sem_alloc : memref<!tpu.dma_semaphore, #tpu.memory_space<semaphore_mem>>
          %dma_start3A = arith.constant 0 : i32
          %dma_start3A_60 = tpu.memref_slice %arg4[%arg0, %mul3A_59, %dma_start3A] : memref<2x10000x128xf32, #tpu.memory_space<hbm>> -> memref<1x80x128xf32, #tpu.memory_space<hbm>>
          %dma_start3A_61 = tpu.memref_squeeze %dma_start3A_60 : memref<1x80x128xf32, #tpu.memory_space<hbm>> -> memref<80x128xf32, #tpu.memory_space<hbm>>
          %dma_start3A_62 = arith.constant 0 : i32
          %dma_start3A_63 = tpu.memref_slice %arg13[%mul3A_57, %dma_start3A_62] : memref<10000x128xf32, #tpu.memory_space<vmem_shared>> -> memref<80x128xf32, #tpu.memory_space<vmem_shared>>
          tpu.enqueue_dma source(%dma_start3A_63 : memref<80x128xf32, #tpu.memory_space<vmem_shared>>) target(%dma_start3A_61 : memref<80x128xf32, #tpu.memory_space<hbm>>) target_semaphore(%run_scoped3A : memref<!tpu.dma_semaphore, #tpu.memory_space<semaphore_mem>>)
          %dma_wait3A = arith.constant 0 : i32
          %dma_wait3A_64 = tpu.memref_slice %arg4[%arg0, %mul3A_59, %dma_wait3A] : memref<2x10000x128xf32, #tpu.memory_space<hbm>> -> memref<1x80x128xf32, #tpu.memory_space<hbm>>
          %dma_wait3A_65 = tpu.memref_squeeze %dma_wait3A_64 : memref<1x80x128xf32, #tpu.memory_space<hbm>> -> memref<80x128xf32, #tpu.memory_space<hbm>>
          %dma_wait3A_66 = arith.constant 0 : i32
          %dma_wait3A_67 = tpu.memref_slice %arg13[%mul3A_57, %dma_wait3A_66] : memref<10000x128xf32, #tpu.memory_space<vmem_shared>> -> memref<80x128xf32, #tpu.memory_space<vmem_shared>>
          tpu.wait_dma2 semaphore(%run_scoped3A : memref<!tpu.dma_semaphore, #tpu.memory_space<semaphore_mem>>) src(%dma_wait3A_67 : memref<80x128xf32, #tpu.memory_space<vmem_shared>>) dst(%dma_wait3A_65 : memref<80x128xf32, #tpu.memory_space<hbm>>)
          tpu.yield
        }) : () -> ()
      } else {
      }
    }
    %scan3A_42 = arith.constant 8 : i32
    return
  }
}

module attributes {stable_mosaic.version = 14 : i64} {
  func.func @_tc_body(%arg0: i32, %arg1: memref<2000x128xf32, #tpu.memory_space<vmem>>, %arg2: memref<2x2000x128xf32, #tpu.memory_space<vmem>>, %arg3: memref<2000x32xf32, #tpu.memory_space<vmem>>, %arg4: memref<128x128xf32, #tpu.memory_space<vmem>>, %arg5: memref<2000x128xf32, #tpu.memory_space<vmem>>) attributes {dimension_semantics = [#tpu.dimension_semantics<arbitrary>], iteration_bounds = array<i64: 5>, scalar_prefetch = 0 : i64, scratch_operands = 0 : i64, tpu.core_type = #tpu.core_type<tc>, window_params = [{transform_indices = @transform_0, window_bounds = array<i64: 2000, 128>}, {transform_indices = @transform_1, window_bounds = array<i64: 2, 2000, 128>}, {transform_indices = @transform_2, window_bounds = array<i64: 2000, 32>}, {pipeline_mode = #tpu.pipeline_mode<synchronous>, transform_indices = @transform_3, window_bounds = array<i64: 128, 128>}, {transform_indices = @transform_4, window_bounds = array<i64: 2000, 128>}]} {
    %get3A = arith.constant 0 : index
    %get3A_0 = arith.constant 0 : index
    %get3A_1 = arith.constant 0 : index
    %get3A_2 = vector.load %arg2[%get3A, %get3A_0, %get3A_1] : memref<2x2000x128xf32, #tpu.memory_space<vmem>>, vector<1x2000x128xf32>
    %get3A_3 = vector.shape_cast %get3A_2 : vector<1x2000x128xf32> to vector<2000x128xf32>
    %get3A_4 = arith.constant 1 : index
    %get3A_5 = arith.constant 0 : index
    %get3A_6 = arith.constant 0 : index
    %get3A_7 = vector.load %arg2[%get3A_4, %get3A_5, %get3A_6] : memref<2x2000x128xf32, #tpu.memory_space<vmem>>, vector<1x2000x128xf32>
    %get3A_8 = vector.shape_cast %get3A_7 : vector<1x2000x128xf32> to vector<2000x128xf32>
    %add3A = arith.addf %get3A_3, %get3A_8 : vector<2000x128xf32>
    %get3A_9 = arith.constant 0 : index
    %get3A_10 = arith.constant 0 : index
    %get3A_11 = vector.load %arg3[%get3A_9, %get3A_10] : memref<2000x32xf32, #tpu.memory_space<vmem>>, vector<2000x32xf32>
    %reduce_sum3A = arith.constant dense<0.000000e+00> : vector<2000xf32>
    %reduce_sum3A_12 = vector.multi_reduction <add>, %get3A_11, %reduce_sum3A [1] : vector<2000x32xf32> to vector<2000xf32>
    %max3A = arith.constant 1.000000e+00 : f32
    %max3A_13 = vector.broadcast %max3A : f32 to vector<2000xf32>
    %max3A_14 = arith.maximumf %reduce_sum3A_12, %max3A_13 : vector<2000xf32>
    %broadcast_in_dim3A = vector.shape_cast %max3A_14 : vector<2000xf32> to vector<2000x1xf32>
    %get3A_15 = arith.constant 0 : index
    %get3A_16 = arith.constant 0 : index
    %get3A_17 = vector.load %arg4[%get3A_15, %get3A_16] : memref<128x128xf32, #tpu.memory_space<vmem>>, vector<128x128xf32>
    %dot_general3A = arith.constant dense<0.000000e+00> : vector<2000x128xf32>
    %dot_general3A_18 = tpu.matmul %add3A, %get3A_17, %dot_general3A {dimension_numbers = #tpu.dot_dimension_numbers<[1], [1], [0], [0], [0, 0, 1, 0], [], []>, precision = #tpu.contract_precision<fp32>, transpose_lhs_hint = false} : vector<2000x128xf32>, vector<128x128xf32>, vector<2000x128xf32> -> vector<2000x128xf32>
    %get3A_19 = arith.constant 0 : index
    %get3A_20 = arith.constant 0 : index
    %get3A_21 = vector.load %arg1[%get3A_19, %get3A_20] : memref<2000x128xf32, #tpu.memory_space<vmem>>, vector<2000x128xf32>
    %div3A = vector.broadcast %broadcast_in_dim3A : vector<2000x1xf32> to vector<2000x128xf32>
    %div3A_22 = arith.divf %dot_general3A_18, %div3A : vector<2000x128xf32>
    %add3A_23 = arith.addf %get3A_21, %div3A_22 : vector<2000x128xf32>
    %max3A_24 = arith.constant 0.000000e+00 : f32
    %max3A_25 = vector.broadcast %max3A_24 : f32 to vector<2000x128xf32>
    %max3A_26 = arith.maximumf %add3A_23, %max3A_25 : vector<2000x128xf32>
    %swap3A = arith.constant 0 : index
    %swap3A_27 = arith.constant 0 : index
    %swap3A_28 = vector.load %arg5[%swap3A, %swap3A_27] : memref<2000x128xf32, #tpu.memory_space<vmem>>, vector<2000x128xf32>
    tpu.vector_store %arg5[%swap3A, %swap3A_27], %max3A_26 {strides = array<i32>} : memref<2000x128xf32, #tpu.memory_space<vmem>>, vector<2000x128xf32>,
    return
  }
  func.func @transform_0(%arg0: i32) -> (i32, i32) {
    %c0_i32 = arith.constant 0 : i32
    %c0_i32_0 = arith.constant 0 : i32
    return %arg0, %c0_i32 : i32, i32
  }
  func.func @transform_1(%arg0: i32) -> (i32, i32, i32) {
    %c0_i32 = arith.constant 0 : i32
    %c0_i32_0 = arith.constant 0 : i32
    %c0_i32_1 = arith.constant 0 : i32
    return %c0_i32, %arg0, %c0_i32_0 : i32, i32, i32
  }
  func.func @transform_2(%arg0: i32) -> (i32, i32) {
    %c0_i32 = arith.constant 0 : i32
    %c0_i32_0 = arith.constant 0 : i32
    return %arg0, %c0_i32 : i32, i32
  }
  func.func @transform_3(%arg0: i32) -> (i32, i32) {
    %c0_i32 = arith.constant 0 : i32
    %c0_i32_0 = arith.constant 0 : i32
    %c0_i32_1 = arith.constant 0 : i32
    return %c0_i32, %c0_i32_0 : i32, i32
  }
  func.func @transform_4(%arg0: i32) -> (i32, i32) {
    %c0_i32 = arith.constant 0 : i32
    %c0_i32_0 = arith.constant 0 : i32
    return %arg0, %c0_i32 : i32, i32
  }
}

module attributes {stable_mosaic.version = 14 : i64} {
  func.func @_tc_self_body(%arg0: i32, %arg1: memref<2000x128xf32, #tpu.memory_space<vmem>>, %arg2: memref<128x128xf32, #tpu.memory_space<vmem>>, %arg3: memref<1x128xf32, #tpu.memory_space<vmem>>, %arg4: memref<2000x128xf32, #tpu.memory_space<vmem>>) attributes {dimension_semantics = [#tpu.dimension_semantics<arbitrary>], iteration_bounds = array<i64: 5>, scalar_prefetch = 0 : i64, scratch_operands = 0 : i64, tpu.core_type = #tpu.core_type<tc>, window_params = [{transform_indices = @transform_0, window_bounds = array<i64: 2000, 128>}, {pipeline_mode = #tpu.pipeline_mode<synchronous>, transform_indices = @transform_1, window_bounds = array<i64: 128, 128>}, {pipeline_mode = #tpu.pipeline_mode<synchronous>, transform_indices = @transform_2, window_bounds = array<i64: 1, 128>}, {transform_indices = @transform_3, window_bounds = array<i64: 2000, 128>}]} {
    %get3A = arith.constant 0 : index
    %get3A_0 = arith.constant 0 : index
    %get3A_1 = vector.load %arg1[%get3A, %get3A_0] : memref<2000x128xf32, #tpu.memory_space<vmem>>, vector<2000x128xf32>
    %get3A_2 = arith.constant 0 : index
    %get3A_3 = arith.constant 0 : index
    %get3A_4 = vector.load %arg2[%get3A_2, %get3A_3] : memref<128x128xf32, #tpu.memory_space<vmem>>, vector<128x128xf32>
    %dot_general3A = arith.constant dense<0.000000e+00> : vector<2000x128xf32>
    %dot_general3A_5 = tpu.matmul %get3A_1, %get3A_4, %dot_general3A {dimension_numbers = #tpu.dot_dimension_numbers<[1], [1], [0], [0], [0, 0, 1, 0], [], []>, precision = #tpu.contract_precision<fp32>, transpose_lhs_hint = false} : vector<2000x128xf32>, vector<128x128xf32>, vector<2000x128xf32> -> vector<2000x128xf32>
    %get3A_6 = arith.constant 0 : index
    %get3A_7 = arith.constant 0 : index
    %get3A_8 = vector.load %arg3[%get3A_6, %get3A_7] : memref<1x128xf32, #tpu.memory_space<vmem>>, vector<1x128xf32>
    %add3A = vector.broadcast %get3A_8 : vector<1x128xf32> to vector<2000x128xf32>
    %add3A_9 = arith.addf %dot_general3A_5, %add3A : vector<2000x128xf32>
    %swap3A = arith.constant 0 : index
    %swap3A_10 = arith.constant 0 : index
    %swap3A_11 = vector.load %arg4[%swap3A, %swap3A_10] : memref<2000x128xf32, #tpu.memory_space<vmem>>, vector<2000x128xf32>
    tpu.vector_store %arg4[%swap3A, %swap3A_10], %add3A_9 {strides = array<i32>} : memref<2000x128xf32, #tpu.memory_space<vmem>>, vector<2000x128xf32>,
    return
  }
  func.func @transform_0(%arg0: i32) -> (i32, i32) {
    %c0_i32 = arith.constant 0 : i32
    %c0_i32_0 = arith.constant 0 : i32
    return %arg0, %c0_i32 : i32, i32
  }
  func.func @transform_1(%arg0: i32) -> (i32, i32) {
    %c0_i32 = arith.constant 0 : i32
    %c0_i32_0 = arith.constant 0 : i32
    %c0_i32_1 = arith.constant 0 : i32
    return %c0_i32, %c0_i32_0 : i32, i32
  }
  func.func @transform_2(%arg0: i32) -> (i32, i32) {
    %c0_i32 = arith.constant 0 : i32
    %c0_i32_0 = arith.constant 0 : i32
    %c0_i32_1 = arith.constant 0 : i32
    return %c0_i32, %c0_i32_0 : i32, i32
  }
  func.func @transform_3(%arg0: i32) -> (i32, i32) {
    %c0_i32 = arith.constant 0 : i32
    %c0_i32_0 = arith.constant 0 : i32
    return %arg0, %c0_i32 : i32, i32
  }
}

</mosaic_0001>

<sc_bundles>
// kernel: kernel.5.cloned.1.call-start
scs
__scs_entry_jumppad:
0x0: {  	(pc) =	sbr.rel $0x88, $3  }
0x1: {  	(tag) =	ssettag $0x0;
	lr =	simm.s32 $0x1  }
0x2: {  	[smem:$0x3F9C] =	sst lr;
	_ =	strace $0xD0000000  }
0x3: {  	_ = 	snop  }
0x4: {  	_ = 	snop  }
0x5: {  	_ = 	snop  }
0x6: {  	_ = 	snop  }
0x7: {  	_ = 	snop  }
__scs_overlays_trampoline_lowered:
0x8: {  	[smem:$0x3FAB] =	sst s0  }
0x9: {  	[smem:$0x3FAC] =	sst s1  }
0xa: {  	[smem:$0x3FAD] =	sst s2  }
0xb: {  	[smem:$0x3FAE] =	sst s3  }
0xc: {  	[smem:$0x3FAF] =	sst s4  }
0xd: {  	[smem:$0x3FB0] =	sst s5  }
0xe: {  	[smem:$0x3FB1] =	sst s6  }
0xf: {  	[smem:$0x3FB2] =	sst s7  }
0x10: {  	[smem:$0x3FB3] =	sst s8  }
0x11: {  	[smem:$0x3FB4] =	sst s9;
	s0 =	simm.s32 @!p0 $0x0  }
0x12: {  	s1 =	sld [smem:$0x3F9A];
	s0 =	simm.s32 @p0 $0x1  }
0x13: {  	[smem:$0x3FB5] =	sst s0;
	s0 =	simm.s32 @!p1 $0x0  }
0x14: {  	s2 =	sld [smem:$0x3F99];
	s0 =	simm.s32 @p1 $0x1  }
0x15: {  	[smem:$0x3FB6] =	sst s0;
	s0 =	simm.s32 @!p2 $0x0  }
0x16: {  	s3 =	sld [smem:$0x3FDB];
	s0 =	simm.s32 @p2 $0x1  }
0x17: {  	s4 =	simm.s32 $0x1BF5;
	[smem:$0x3FB8] =	sst s0  }
0x18: {  	s0 =	sld [smem:$0x3F9B];
	_ =	swait.ge [sflag:s4], $0x0  }
0x19: {  	s7 =	sld [smem:$0x3F9C]  }
0x1a: {  	s8 =	sadd.s32 $0xFFFFE003, lr  }
0x1b: {  	s9 =	sadd.s32 $0xFFFFFEF7, lr;
	s5 =	simm.s32 $0xFFFFFFFF;
	p2 =	slt.u32 s8, $0xFFFFF086  }
0x1c: {  	p1 =	slt.u32 s9, $0xF7A;
	s5 =	simm.s32 @!p2 $0x0  }
0x1d: {  	s5 =	simm.s32 @p1 $0x1;
	p0 =	seq.s32 s7, s2  }
0x1e: {  	s7 =	smul.u32 @!p0 $0xF7A, s2;
	p2 =	seq.s32 @!p0 s5, $0x0  }
0x1f: {  	s9 =	smul.u32 $0xF7A, s1;
	s8 =	simm.s32 @!p0 $0x1BF5;
	p2 =	por !p2, p0  }
0x20: {  	[sflag:s8] =	ssyncset.s32 @!p0 $0xFFFFF086;
	s6 =	sadd.s32 @!p0 s3, s7;
	s7 =	simm.s32 @!p0 $0x108  }
0x21: {  	s3 =	sadd.s32 s3, s9;
	s6 =	sadd.s32 @!p0 $0x88, s6;
	s7 =	simm.s32 @p2 $0x1082  }
0x22: {  	[simem:s7], [sflag:s8] =	dma.local @!p0 [hbm:s6], $0xF7A  }
0x23: {  	s9 =	sor.u32 $0xD0000000, s2;
	s6 =	simm.s32 $0x108;
	_ =	swait.ge @!p0 [sflag:s8], $0x0  }
0x24: {  	s3 =	sadd.s32 $0x88, s3;
	s6 =	simm.s32 @!p1 $0x1082;
	[sflag:s4] =	ssyncset.s32 $0xFFFFF086  }
0x25: {  	[simem:s6], [sflag:s4] =	dma.local [hbm:s3], $0xF7A  }
0x26: {  	[smem:$0x3F9C] =	sst s1;
	(tag) =	ssettag s2;
	_ =	strace s9  }
0x27: {  	s1 =	sld [smem:$0x3FAC]  }
0x28: {  	s2 =	sld [smem:$0x3FAD]  }
0x29: {  	s4 =	sld [smem:$0x3FAF]  }
0x2a: {  	p0 =	seq.s32 s5, $0x0;
	s5 =	sld [smem:$0x3FB0]  }
0x2b: {  	s6 =	sld [smem:$0x3FB1]  }
0x2c: {  	s7 =	sld [smem:$0x3FB2]  }
0x2d: {  	s3 =	simm.s32 $0x108;
	s8 =	sld [smem:$0x3FB3]  }
0x2e: {  	s3 =	simm.s32 @!p0 $0x1082;
	s9 =	sld [smem:$0x3FB4]  }
0x2f: {  	lr =	sadd.s32 s0, s3;
	s0 =	sld [smem:$0x3FAB]  }
0x30: {  	s3 =	sld [smem:$0x3FAE]  }
0x31: {  	[smem:$0x3FB7] =	sst s10  }
0x32: {  	s10 =	sld [smem:$0x3FB5];
	_ =	sdelay $0x3  }
0x33: {  	p0 =	seq.s32 s10, $0x1;
	s10 =	sld [smem:$0x3FB7];
	_ =	sdelay $0x3  }
0x34: {  	[smem:$0x3FB7] =	sst s10  }
0x35: {  	s10 =	sld [smem:$0x3FB6];
	_ =	sdelay $0x3  }
0x36: {  	p1 =	seq.s32 s10, $0x1;
	s10 =	sld [smem:$0x3FB7];
	_ =	sdelay $0x3  }
0x37: {  	[smem:$0x3FB7] =	sst s10  }
0x38: {  	s10 =	sld [smem:$0x3FB8]  }
0x39: {  	_ = 	snop;
	(pc) =	sbr.ind lr, $3  }
0x3a: {  	_ = 	snop  }
0x3b: {  	_ = 	snop  }
0x3c: {  	p2 =	seq.s32 s10, $0x1;
	s10 =	sld [smem:$0x3FB7]  }
0x3d: {  	_ =	shalt  }
0x3e: {  	_ =	shalt  }
0x3f: {  	_ =	shalt  }
0x40: {  	_ =	shalt  }
0x41: {  	_ =	shalt  }
0x42: {  	_ =	shalt  }
0x43: {  	_ =	shalt  }
0x44: {  	_ =	shalt  }
0x45: {  	_ =	shalt  }
0x46: {  	_ =	shalt  }
0x47: {  	_ =	shalt  }
0x48: {  	_ =	shalt  }
0x49: {  	_ =	shalt  }
0x4a: {  	_ =	shalt  }
0x4b: {  	_ =	shalt  }
0x4c: {  	_ =	shalt  }
0x4d: {  	_ =	shalt  }
0x4e: {  	_ =	shalt  }
0x4f: {  	_ =	shalt  }
0x50: {  	_ =	shalt  }
0x51: {  	_ =	shalt  }
0x52: {  	_ =	shalt  }
0x53: {  	_ =	shalt  }
0x54: {  	_ =	shalt  }
0x55: {  	_ =	shalt  }
0x56: {  	_ =	shalt  }
0x57: {  	_ =	shalt  }
0x58: {  	_ =	shalt  }
0x59: {  	_ =	shalt  }
0x5a: {  	_ =	shalt  }
0x5b: {  	_ =	shalt  }
0x5c: {  	_ =	shalt  }
0x5d: {  	_ =	shalt  }
0x5e: {  	_ =	shalt  }
0x5f: {  	_ =	shalt  }
0x60: {  	_ =	shalt  }
0x61: {  	_ =	shalt  }
0x62: {  	_ =	shalt  }
0x63: {  	_ =	shalt  }
0x64: {  	_ =	shalt  }
0x65: {  	_ =	shalt  }
0x66: {  	_ =	shalt  }
0x67: {  	_ =	shalt  }
0x68: {  	_ =	shalt  }
0x69: {  	_ =	shalt  }
0x6a: {  	_ =	shalt  }
0x6b: {  	_ =	shalt  }
0x6c: {  	_ =	shalt  }
0x6d: {  	_ =	shalt  }
0x6e: {  	_ =	shalt  }
0x6f: {  	_ =	shalt  }
0x70: {  	_ =	shalt  }
0x71: {  	_ =	shalt  }
0x72: {  	_ =	shalt  }
0x73: {  	_ =	shalt  }
0x74: {  	_ =	shalt  }
0x75: {  	_ =	shalt  }
0x76: {  	_ =	shalt  }
0x77: {  	_ =	shalt  }
0x78: {  	_ =	shalt  }
0x79: {  	_ =	shalt  }
0x7a: {  	_ =	shalt  }
0x7b: {  	_ =	shalt  }
0x7c: {  	_ =	shalt  }
0x7d: {  	_ =	shalt  }
0x7e: {  	_ =	shalt  }
0x7f: {  	_ =	shalt  }
0x80: {  	_ =	shalt  }
0x81: {  	_ =	shalt  }
0x82: {  	_ =	shalt  }
0x83: {  	_ =	shalt  }
0x84: {  	_ =	shalt  }
0x85: {  	_ =	shalt  }
0x86: {  	_ =	shalt  }
0x87: {  	_ =	shalt  }
.Lfunc_end0:
.L_simem_size_0:
called_computation_lowered:
.L_overlay_start_0:
0x88: {  	s2 =	sld [smem:$0x3FD9]  }
0x89: {  	s3 =	sld [smem:$0x3FFE];
	_ =	sdelay $0x1  }
0x8a: {  	s1 =	srdreg.scid  }
0x8b: {  	s0 =	sand.u32 $0x1, s1  }
0x8c: {  	s17 =	sshll.u32 s0, $0xA;
	s2 =	sadd.s32 s3, s2  }
0x8d: {  	s2 =	sadd.s32 s2, s17  }
0x8e: {  	[smem:$0x3FC3] =	sst s2  }
0x8f: {  	_ = 	snop  }
0x90: {  	s2 =	sld [smem:$0x3FC9]  }
0x91: {  	s18 =	sld [smem:$0x3FD0];
	(tm) =	ssettm $0x1  }
0x92: {  	s4 =	sld [smem:$0x3FFB];
	_ =	sdelay $0x3  }
0x93: {  	_ =	strace s4  }
0x94: {  	s4 =	sld [smem:$0x3FFC];
	_ =	sdelay $0x3  }
0x95: {  	_ =	strace s4  }
0x96: {  	s4 =	sld [smem:$0x3FFD];
	_ =	sdelay $0x3  }
0x97: {  	_ =	strace s4  }
0x98: {  	_ =	strace $0x8FFFFFFF  }
0x99: {  	s19 =	sld [smem:$0x3FDB];
	_ =	sdelay $0x1  }
0x9a: {  	s5 =	simm.s32 $_scs_section_size  }
0x9b: {  	s6 =	simm.s32 $_size__tile_overlayer_lowered;
	s7 =	simm.s32 $_tile_overlayer_lowered  }
0x9c: {  	s22 =	simm.s32 $0x1BFF;
	s21 =	sshll.u32 s7, $0x1;
	s4 =	sadd.s32 s5, s19  }
0x9d: {  	s8 =	simm.s32 $0x0;
	s20 =	sshll.u32 s6, $0x1;
	s6 =	sadd.s32 s21, s4  }
0x9e: {  	[timem:s8], [sflag:s22] =	dma.local [hbm:s6], s20  }
0x9f: {  	_ =	swait.ge [sflag:s22], s20  }
0xa0: {  	s5 =	ssub.s32 $0x0, s20;
	[sflag:s22] =	ssyncset.done $0x0  }
0xa1: {  	[sflag:s22] =	ssyncadd.s32 s5;
	_ =	sdelay $0x1  }
0xa2: {  	s23 =	simm.s32 $0x1B8B  }
0xa3: {  	_ =	swait.ge [sflag:s23], $0x1  }
0xa4: {  	[sflag:s23] =	ssyncset.done $0x0  }
0xa5: {  	s25 =	simm.s32 $0x1B8E;
	s24 =	sld [smem:$0x3FFE];
	[sflag:s23] =	ssyncadd.s32 $0xFFFFFFFF  }
0xa6: {  	s26 =	simm.s32 $execute0_lowered;
	[smem:$0x3FD2] =	sst s25  }
0xa7: {  	s6 =	sshll.u32 s26, $0x1;
	_ =	strace $0x80000046;
	[dreg:$0x1] =	wrdreg $0xFFFFFFFF  }
0xa8: {  	s28 =	simm.s32 $_size_execute0_lowered;
	s4 =	sadd.s32 s4, s6;
	[dreg:$0x0] =	wrdreg $0x0  }
0xa9: {  	s6 =	sshll.u32 s28, $0x1;
	[dreg:$0x2] =	wrdreg s4  }
0xaa: {  	[dreg:$0x3] =	wrdreg s6  }
0xab: {  	[dreg:$0x4] =	wrdreg $0xC0  }
0xac: {  	_ =	task [dreg:s8], $0x5FFFF  }
0xad: {  	[dreg:$0x1] =	wrdreg $0xFFFFFFFF  }
0xae: {  	[dreg:$0x0] =	wrdreg $0x60  }
0xaf: {  	[dreg:$0x2] =	wrdreg s2  }
0xb0: {  	[dreg:$0x3] =	wrdreg s24  }
0xb1: {  	[dreg:$0x4] =	wrdreg s18  }
0xb2: {  	[dreg:$0x5] =	wrdreg $0xB7800  }
0xb3: {  	[dreg:$0x6] =	wrdreg $0x9  }
0xb4: {  	_ =	task.clear_ibuf [dreg:s8], $0x7FFFF;
	_ =	strace $0x90000046  }
0xb5: {  	s29 =	simm.s32 $0x9;
	_ =	strace $0x80000048  }
0xb6: {  	_ =	swait.ge [sflag:s29], $0x1  }
0xb7: {  	[sflag:s29] =	ssyncadd.s32 $0xFFFFFFFF  }
0xb8: {  	_ =	strace $0x90000048  }
0xb9: {  	_ =	sfence  }
0xba: {  	s30 =	sld [smem:$0x0];
	_ =	sdelay $0x2  }
0xbb: {  	s31 =	sshll.u32 s1, $0xD;
	s1 =	sshrl.u32 s1, $0x2  }
0xbc: {  	s3 =	sand.u32 $0x4000, s31;
	s1 =	sadd.s32 s1, s30  }
0xbd: {  	s0 =	sor.u32 s3, s0;
	s1 =	sshll.u32 s1, $0x11  }
0xbe: {  	s0 =	sor.u32 s1, s0  }
0xbf: {  	s0 =	sadd.s32 $0x8F2B, s0  }
0xc0: {  	[sflag:s0] =	ssyncadd.remote.s32 $0x1  }
0xc1: {  	_ =	sfence.sel $0xFFFF  }
0xc2: {  	[dreg:$0x0] =	wrdreg $0xFFFFFFFF;
	(pc) =	sbr.abs _section_cstart, $3  }
0xc3: {  	[dreg:$0x1] =	wrdreg $0xFFFFFFFF  }
0xc4: {  	_ =	task.clear_ibuf [dreg:s8], $0x2FFFF;
	_ =	strace $0x9FFFFFFF  }
0xc5: {  	(tm) =	ssettm $0x7FFFFFFF  }
tec
execute0_lowered:
.L_overlay_start_1:
0x0: {  	(tag) =	ssettag $0x1  }
0x1: {  	s0 =	rddreg [dreg:$0x0]  }
0x2: {  	s1 =	srdreg.scid;
	s2 =	rddreg [dreg:$0x1]  }
0x3: {  	s4 =	rddreg [dreg:$0x2];
	s23 =	stileid.u32  }
0x4: {  	s3 =	rddreg [dreg:$0x3];
	s29 =	simm.s32 $0x80;
	s30 =	simm.s32 $0x1000  }
0x5: {  	s31 =	simm.s32 $0x5000;
	s1 =	sand.u32 $0x1, s1;
	s10 =	smul.u32 $0x2800, s23  }
0x6: {  	s6 =	sadd.s32 $0x1800, s2;
	s12 =	sor.u32 $0x20, s23;
	s9 =	smul.u32 $0x138800, s1  }
0x7: {  	s2 =	sadd.s32 $0x4FA00, s2;
	s18 =	sor.u32 $0x30, s23;
	s15 =	smul.u32 $0x2800, s12  }
0x8: {  	s11 =	sshll.u32 s23, $0x7;
	s19 =	sor.u32 $0x40, s23;
	s25 =	smul.u32 $0x2800, s18  }
0x9: {  	s20 =	sor.u32 $0x50, s23;
	s21 =	sor.u32 $0x70, s23;
	s16 =	smul.u32 $0x2800, s19  }
0xa: {  	s5 =	sshll.u32 s1, $0x4;
	s7 =	ssub.s32 $0x2, s1;
	s26 =	smul.u32 $0x2800, s20  }
0xb: {  	s22 =	smul.u32 $0x2800, s21;
	p0 =	sgt.u32 s21, $0x7C;
	s5 =	sor.u32 s23, s5  }
0xc: {  	s21 =	smul.u32 $0xA000, s21;
	s8 =	sshrl.u32 s7, $0x1;
	s5 =	sshrl.u32 s5, $0x3  }
0xd: {  	s7 =	ssub.s32 s7, s8;
	s8 =	sor.u32 $0x10, s23;
	s5 =	smul.u32 $0x13C00, s5  }
0xe: {  	s14 =	sand.u32 $0x380, s11;
	s10 =	sadd.s32 s9, s10;
	s13 =	smul.u32 $0x2800, s8  }
0xf: {  	s15 =	sadd.s32 s9, s15;
	s16 =	sadd.s32 s9, s16;
	s10 =	sshrl.u32 s10, $0x3  }
0x10: {  	s10 =	sadd.s32 s2, s10;
	s5 =	sor.u32 s14, s5;
	s13 =	sadd.s32 s9, s13  }
0x11: {  	s14 =	sadd.s32 s9, s25;
	[dreg:$0x6] =	wrdreg s10;
	s25 =	sshrl.u32 s15, $0x3  }
0x12: {  	s15 =	sshrl.u32 s16, $0x3;
	s5 =	sshrl.u32 s5, $0x3;
	s24 =	sshrl.u32 s13, $0x3  }
0x13: {  	s13 =	smul.u32 $0xA000, s19;
	s4 =	sadd.s32 s4, s5;
	s5 =	sadd.s32 s9, s26  }
0x14: {  	s10 =	sadd.s32 s2, s24;
	s26 =	sshrl.u32 s14, $0x3;
	[dreg:$0x5] =	wrdreg s4  }
0x15: {  	s4 =	sor.u32 $0x60, s23;
	[dreg:$0x7] =	wrdreg s10;
	s10 =	sadd.s32 s2, s25  }
0x16: {  	s14 =	sadd.s32 s2, s26;
	s17 =	smul.u32 $0x2800, s4;
	[dreg:$0x8] =	wrdreg s10  }
0x17: {  	s5 =	sshrl.u32 s5, $0x3;
	[dreg:$0x9] =	wrdreg s14;
	s14 =	smul.u32 $0xA000, s20  }
0x18: {  	s10 =	sadd.s32 s2, s15;
	s5 =	sadd.s32 s2, s5;
	s4 =	smul.u32 $0xA000, s4  }
0x19: {  	s15 =	simm.s32 $0x0;
	[dreg:$0xa] =	wrdreg s10;
	s10 =	smul.u32 $0xA000, s12  }
0x1a: {  	s20 =	sshrl.u32 s13, $0x2;
	[dreg:$0xb] =	wrdreg s5;
	s12 =	smul.u32 $0xA000, s18  }
0x1b: {  	s17 =	sadd.s32 s9, s17;
	s9 =	sadd.s32 s9, s22;
	s22 =	smul.u32 $0x4E2, s1  }
0x1c: {  	[smem:$0x7FF] =	sst s15;
	s1 =	smul.u32 $0x27100, s1;
	s16 =	sshrl.u32 s17, $0x3  }
0x1d: {  	s24 =	sshrl.u32 s9, $0x3;
	s9 =	smul.u32 $0xA000, s23;
	s19 =	sshrl.u32 s12, $0x2  }
0x1e: {  	s17 =	sadd.s32 s2, s16;
	s2 =	sadd.s32 s2, s24;
	s25 =	sadd.s32 s23, s22  }
0x1f: {  	s26 =	sadd.s32 s22, s8;
	s8 =	smul.u32 $0xA000, s8;
	s1 =	sadd.s32 s1, s6  }
0x20: {  	s23 =	sadd.s32 s19, s3;
	s22 =	sadd.s32 s20, s3;
	[dreg:$0xc] =	wrdreg s17  }
0x21: {  	s24 =	sshrl.u32 s14, $0x2;
	[dreg:$0xd] =	wrdreg s2;
	s2 =	sshll.u32 s25, $0x7  }
0x22: {  	s5 =	sshll.u32 s26, $0x7;
	s16 =	sadd.s32 s11, s1;
	s11 =	smax.u32 s7, $0x1  }
0x23: {  	s1 =	sshrl.u32 s10, $0x2;
	s25 =	sshrl.u32 s4, $0x2;
	s26 =	sshrl.u32 s21, $0x2  }
0x24: {  	s4 =	simm.s32 $0x9000;
	s7 =	simm.s32 $0x2;
	s10 =	simm.s32 $0xC00  }
0x25: {  	s2 =	sadd.s32 s6, s2;
	s5 =	sadd.s32 s6, s5;
	s28 =	sadd.s32 s1, s3  }
0x26: {  	s1 =	simm.s32 $0x4;
	s6 =	simm.s32 $0x8;
	[dreg:$0xe] =	wrdreg s2  }
0x27: {  	[dreg:$0xf] =	wrdreg s5;
	s5 =	sshrl.u32 s9, $0x2;
	s2 =	sshrl.u32 s8, $0x2  }
.Ltmp0:
0x28: {  	s8 =	simm.s32 $0x480;
	s9 =	simm.s32 $0x6;
	(pc) =	sbr.rel .LBB2_1-.Ltmp0, $4  }
0x29: {  	_ =	strace $0x80000047;
	[dreg:$0x10] =	wrdreg s11;
	s17 =	sadd.s32 s5, s3  }
0x2a: {  	s18 =	sadd.s32 s2, s3;
	[dreg:$0x11] =	wrdreg s23;
	s23 =	sadd.s32 s24, s3  }
0x2b: {  	s24 =	sadd.s32 s25, s3;
	s25 =	sadd.s32 s26, s3;
	s26 =	simm.s32 $0x400  }
0x2c: {  	v0 =	vimm.f32 $0.0e+00;
	v1 =	vimm.f32 $1.000000000e+00;
	s2 =	simm.s32 $0x7;
	s5 =	simm.s32 $0x1;
	s11 =	simm.s32 $0x0  }
.LBB2_11:
0x2d: {  	[bflag:$0x0] =	sbarrier.arrive $0xFFFF  }
0x2e: {  	s12 =	rddreg [dreg:$0x5]  }
0x2f: {  	[hbm4b:s12+s29] =	stream.strided.scatter [tilespmem:s4], [sflag:$0x7], $0x2780, s26, s29, $0x38;
	[tilespmem:$0x1F000] =	vst v63  }
0x30: {  	s18 =	stileid.u32;
	_ =	swait.ge [sflag:s2], $0x2780  }
0x31: {  	s13 =	sshrl.u32 s19, $0x3;
	s12 =	sshll.u32 s18, $0x6;
	[sflag:s2] =	ssyncset.done $0x0  }
0x32: {  	s12 =	sor.u32 $0x1C07, s12;
	s14 =	rddreg [dreg:$0x6];
	[sflag:s2] =	ssyncadd.s32 $0xFFFFD880  }
0x33: {  	[hbm:s14], [sflag:s12] =	dma.local [spmem:s13], $0x500  }
0x34: {  	_ =	swait.ge [sflag:s2], $0x500  }
0x35: {  	s17 =	smov.u32 s19;
	s19 =	sshrl.u32 s20, $0x3;
	[sflag:s2] =	ssyncset.done $0x0  }
0x36: {  	s18 =	smov.u32 s20;
	s20 =	rddreg [dreg:$0x7];
	[sflag:s2] =	ssyncadd.s32 $0xFFFFFB00  }
0x37: {  	[hbm:s20], [sflag:s12] =	dma.local [spmem:s19], $0x500  }
0x38: {  	_ =	swait.ge [sflag:s2], $0x500  }
0x39: {  	[sflag:s2] =	ssyncset.done $0x0  }
0x3a: {  	s14 =	sshrl.u32 s21, $0x3;
	s19 =	rddreg [dreg:$0x8];
	[sflag:s2] =	ssyncadd.s32 $0xFFFFFB00  }
0x3b: {  	[hbm:s19], [sflag:s12] =	dma.local [spmem:s14], $0x500  }
0x3c: {  	_ =	swait.ge [sflag:s2], $0x500  }
0x3d: {  	s28 =	smov.u32 s21;
	[sflag:s2] =	ssyncset.done $0x0;
	s20 =	rddreg [dreg:$0x11]  }
0x3e: {  	s21 =	rddreg [dreg:$0x9];
	[sflag:s2] =	ssyncadd.s32 $0xFFFFFB00;
	s13 =	sshrl.u32 s20, $0x3  }
0x3f: {  	[hbm:s21], [sflag:s12] =	dma.local [spmem:s13], $0x500  }
0x40: {  	_ =	swait.ge [sflag:s2], $0x500  }
0x41: {  	[sflag:s2] =	ssyncset.done $0x0  }
0x42: {  	s14 =	sshrl.u32 s22, $0x3;
	s19 =	rddreg [dreg:$0xa];
	[sflag:s2] =	ssyncadd.s32 $0xFFFFFB00  }
0x43: {  	[hbm:s19], [sflag:s12] =	dma.local [spmem:s14], $0x500  }
0x44: {  	_ =	swait.ge [sflag:s2], $0x500  }
0x45: {  	[sflag:s2] =	ssyncset.done $0x0  }
0x46: {  	s20 =	sshrl.u32 s23, $0x3;
	s21 =	rddreg [dreg:$0xb];
	[sflag:s2] =	ssyncadd.s32 $0xFFFFFB00  }
0x47: {  	[hbm:s21], [sflag:s12] =	dma.local [spmem:s20], $0x500  }
0x48: {  	_ =	swait.ge [sflag:s2], $0x500  }
0x49: {  	[sflag:s2] =	ssyncset.done $0x0  }
0x4a: {  	s19 =	sshrl.u32 s24, $0x3;
	s20 =	rddreg [dreg:$0xc];
	[sflag:s2] =	ssyncadd.s32 $0xFFFFFB00  }
0x4b: {  	[hbm:s20], [sflag:s12] =	dma.local [spmem:s19], $0x500  }
0x4c: {  	_ =	swait.ge [sflag:s2], $0x500  }
0x4d: {  	[sflag:s2] =	ssyncset.done $0x0  }
0x4e: {  	s13 =	sshrl.u32 @!p0 s25, $0x3;
	s14 =	rddreg [dreg:$0xd];
	[sflag:s2] =	ssyncadd.s32 $0xFFFFFB00  }
0x4f: {  	[hbm:s14], [sflag:s12] =	dma.local @!p0 [spmem:s13], $0x500  }
0x50: {  	s12 =	simm.s32 @!p0 $0x7  }
0x51: {  	_ =	swait.ge @!p0 [sflag:s12], $0x500  }
0x52: {  	s11 =	sadd.s32 $0x1, s11;
	s21 =	rddreg [dreg:$0x10]  }
0x53: {  	p1 =	sne.s32 s11, s21  }
.Ltmp1:
0x54: {  	_ = 	snop;
	(pc) =	sbr.rel @!p1 .LBB2_12-.Ltmp1, $3  }
0x55: {  	_ =	sdelay $0x1  }
0x56: {  	[sflag:s12] =	ssyncset.done @!p0 $0x0  }
0x57: {  	[sflag:s12] =	ssyncadd.s32 @!p0 $0xFFFFFB00  }
.LBB2_1:
0x58: {  	s12 =	rddreg [dreg:$0xe]  }
0x59: {  	[tilespmem:s15], [sflag:$0x3] =	stream.linear.gather [hbm4b:s12+s15], $0x400, $0x38;
	[tilespmem:$0x1F000] =	vst v63  }
0x5a: {  	s20 =	rddreg [dreg:$0xf];
	s21 =	simm.s32 $0x3  }
0x5b: {  	[tilespmem:s26], [sflag:$0x4] =	stream.linear.gather [hbm4b:s20+s15], $0x400, $0x38;
	[tilespmem:$0x1F000] =	vst v63  }
0x5c: {  	_ =	swait.ge [sflag:s21], $0x400  }
0x5d: {  	[sflag:s21] =	ssyncset.done $0x0  }
0x5e: {  	s13 =	simm.s32 $0x200;
	s12 =	simm.s32 $0x0;
	[sflag:s21] =	ssyncadd.s32 $0xFFFFFC00  }
0x5f: {  	[tilespmem:s30], [sflag:$0x1] =	stream.indirect.gather [hbm4b:s0+s29], $0x80, s15, s29, $0xb8;
	[tilespmem:$0x1F000] =	vst v63  }
.LBB2_2:
0x60: {  	p1 =	sne.s32 s13, $0xFE00;
	[tilespmem:s12+$0x5070] =	vst v0  }
0x61: {  	[tilespmem:s12+$0x5000] =	vst v0  }
0x62: {  	[tilespmem:s12+$0x5010] =	vst v0  }
.Ltmp2:
0x63: {  	[tilespmem:s12+$0x5020] =	vst v0;
	(pc) =	sbr.rel @p1 .LBB2_2-.Ltmp2, $4  }
0x64: {  	[tilespmem:s12+$0x5030] =	vst v0  }
0x65: {  	[tilespmem:s12+$0x5040] =	vst v0  }
0x66: {  	[tilespmem:s12+$0x5050] =	vst v0  }
0x67: {  	[tilespmem:s12+$0x5060] =	vst v0;
	s12 =	sshra.s32 s13, $0x2;
	s13 =	sadd.s32 $0x200, s13  }
0x68: {  	[tilespmem:s12+$0x5070] =	vst v0  }
0x69: {  	[tilespmem:s12+$0x5000] =	vst v0  }
0x6a: {  	[tilespmem:s12+$0x5010] =	vst v0  }
0x6b: {  	[tilespmem:s12+$0x5020] =	vst v0  }
0x6c: {  	[tilespmem:s12+$0x5030] =	vst v0  }
0x6d: {  	[tilespmem:s12+$0x5040] =	vst v0  }
0x6e: {  	[tilespmem:s12+$0x5050] =	vst v0  }
0x6f: {  	[tilespmem:s12+$0x5060] =	vst v0;
	s12 =	simm.s32 $0x40;
	s13 =	simm.s32 $0x0  }
.LBB2_4:
0x70: {  	p1 =	sne.s32 s12, $0x9C00;
	[tilespmem:s13+$0x9000] =	vst v0;
	s13 =	smov.u32 s12;
	s12 =	sadd.s32 $0x40, s12  }
.Ltmp3:
0x71: {  	(pc) =	sbr.rel @p1 .LBB2_4-.Ltmp3, $2  }
0x72: {  	_ =	sdelay $0x2  }
0x73: {  	s13 =	sshra.s32 s13, $0x2  }
0x74: {  	[tilespmem:s13+$0x9000] =	vst v0  }
0x75: {  	[spmem:s17] =	stream.linear.scatter [tilespmem:s31], [sflag:$0x7], $0x2800, $0x38;
	[tilespmem:$0x1F000] =	vst v63  }
0x76: {  	_ =	swait.ge [sflag:s2], $0x2800  }
0x77: {  	[sflag:s2] =	ssyncset.done $0x0  }
0x78: {  	[sflag:s2] =	ssyncadd.s32 $0xFFFFD800  }
0x79: {  	[spmem:s18] =	stream.linear.scatter [tilespmem:s31], [sflag:$0x7], $0x2800, $0x38;
	[tilespmem:$0x1F000] =	vst v63  }
0x7a: {  	_ =	swait.ge [sflag:s2], $0x2800  }
0x7b: {  	[sflag:s2] =	ssyncset.done $0x0  }
0x7c: {  	[sflag:s2] =	ssyncadd.s32 $0xFFFFD800  }
0x7d: {  	[spmem:s28] =	stream.linear.scatter [tilespmem:s31], [sflag:$0x7], $0x2800, $0x38;
	[tilespmem:$0x1F000] =	vst v63  }
0x7e: {  	_ =	swait.ge [sflag:s2], $0x2800  }
0x7f: {  	[sflag:s2] =	ssyncset.done $0x0  }
0x80: {  	s12 =	rddreg [dreg:$0x11];
	[sflag:s2] =	ssyncadd.s32 $0xFFFFD800  }
0x81: {  	[spmem:s12] =	stream.linear.scatter [tilespmem:s31], [sflag:$0x7], $0x2800, $0x38;
	[tilespmem:$0x1F000] =	vst v63  }
0x82: {  	_ =	swait.ge [sflag:s2], $0x2800  }
0x83: {  	[sflag:s2] =	ssyncset.done $0x0  }
0x84: {  	[sflag:s2] =	ssyncadd.s32 $0xFFFFD800  }
0x85: {  	[spmem:s22] =	stream.linear.scatter [tilespmem:s31], [sflag:$0x7], $0x2800, $0x38;
	[tilespmem:$0x1F000] =	vst v63  }
0x86: {  	_ =	swait.ge [sflag:s2], $0x2800  }
0x87: {  	[sflag:s2] =	ssyncset.done $0x0  }
0x88: {  	[sflag:s2] =	ssyncadd.s32 $0xFFFFD800  }
0x89: {  	[spmem:s23] =	stream.linear.scatter [tilespmem:s31], [sflag:$0x7], $0x2800, $0x38;
	[tilespmem:$0x1F000] =	vst v63  }
0x8a: {  	_ =	swait.ge [sflag:s2], $0x2800  }
0x8b: {  	[sflag:s2] =	ssyncset.done $0x0  }
0x8c: {  	[sflag:s2] =	ssyncadd.s32 $0xFFFFD800  }
0x8d: {  	[spmem:s24] =	stream.linear.scatter [tilespmem:s31], [sflag:$0x7], $0x2800, $0x38;
	[tilespmem:$0x1F000] =	vst v63  }
0x8e: {  	_ =	swait.ge [sflag:s2], $0x2800  }
0x8f: {  	[sflag:s2] =	ssyncset.done $0x0  }
0x90: {  	s12 =	simm.s32 @!p0 $0x5000;
	[sflag:s2] =	ssyncadd.s32 $0xFFFFD800  }
0x91: {  	[spmem:s25] =	stream.linear.scatter @!p0 [tilespmem:s12], [sflag:$0x7], $0x2800, $0x38;
	[tilespmem:$0x1F000] =	vst v63  }
0x92: {  	s12 =	simm.s32 @!p0 $0x7  }
.Ltmp4:
0x93: {  	_ =	swait.ge @!p0 [sflag:s12], $0x2800;
	(pc) =	sbr.rel .LBB2_6-.Ltmp4, $4  }
0x94: {  	[sflag:s12] =	ssyncset.done @!p0 $0x0  }
0x95: {  	[sflag:s12] =	ssyncadd.s32 @!p0 $0xFFFFD800  }
0x96: {  	s19 =	smov.u32 s17;
	s20 =	smov.u32 s18;
	[bflag:$0x0] =	sbarrier.arrive $0xFFFF  }
0x97: {  	s21 =	smov.u32 s28;
	s13 =	stileid.u32;
	s12 =	simm.s32 $0x0  }
.LBB2_7:
0x98: {  	s14 =	sadd.s32 s12, s16  }
0x99: {  	p4 =	sgt.u32 s13, $0x491;
	s14 =	sadd.s32 $0x2000, s14  }
0x9a: {  	[tilespmem:s15], [sflag:$0x3] =	stream.linear.gather [hbm4b:s14+s15], $0x400, $0x38;
	[tilespmem:$0x1F000] =	vst v63  }
0x9b: {  	s14 =	sadd.s32 @!p4 s12, s16  }
0x9c: {  	s17 =	simm.s32 @!p4 $0x0;
	s18 =	simm.s32 @!p4 $0x400;
	s14 =	sadd.s32 @!p4 $0x2800, s14  }
0x9d: {  	[tilespmem:s18], [sflag:$0x4] =	stream.linear.gather @!p4 [hbm4b:s14+s17], $0x400, $0x38;
	[tilespmem:$0x1F000] =	vst v63  }
.LBB2_9:
0x9e: {  	_ =	swait.ge [sflag:s9], $0x400  }
0x9f: {  	[sflag:s9] =	ssyncset.done $0x0  }
0xa0: {  	[sflag:s9] =	ssyncadd.s32 $0xFFFFFC00  }
0xa1: {  	[tilespmem:s31], [sflag:$0x2] =	stream.indirect.gather [hbm4b:s0+s29], $0x80, s10, s29, $0xb8;
	[tilespmem:$0x1F000] =	vst v63  }
.LBB2_10:
0xa2: {  	v2 =	vld @!p2 [tilespmem:$0x880];
	_ =	sdelay $0x6  }
0xa3: {  	v3 =	vimm.f32 @!p2 $1.000000000e+00;
	s14 =	simm.s32 @!p2 $0x9000  }
0xa4: {  	[tilespmem:v2+s14+$0x0] =	vst.idx.add.f32.msk @!p2 $0xffff, v3  }
0xa5: {  	v2 =	vld @!p2 [tilespmem:$0x890];
	_ =	sdelay $0x7  }
0xa6: {  	[tilespmem:v2+s14+$0x0] =	vst.idx.add.f32.msk @!p2 $0xffff, v3  }
0xa7: {  	v2 =	vld @!p2 [tilespmem:$0x8A0];
	_ =	sdelay $0x7  }
0xa8: {  	[tilespmem:v2+s14+$0x0] =	vst.idx.add.f32.msk @!p2 $0xffff, v3  }
0xa9: {  	v2 =	vld @!p2 [tilespmem:$0x8B0];
	_ =	sdelay $0x7  }
0xaa: {  	[tilespmem:v2+s14+$0x0] =	vst.idx.add.f32.msk @!p2 $0xffff, v3  }
0xab: {  	v2 =	vld @!p2 [tilespmem:$0x8C0];
	_ =	sdelay $0x7  }
0xac: {  	[tilespmem:v2+s14+$0x0] =	vst.idx.add.f32.msk @!p2 $0xffff, v3  }
0xad: {  	v2 =	vld @!p2 [tilespmem:$0x8D0];
	_ =	sdelay $0x7  }
0xae: {  	[tilespmem:v2+s14+$0x0] =	vst.idx.add.f32.msk @!p2 $0xffff, v3  }
0xaf: {  	v2 =	vld @!p2 [tilespmem:$0x8E0];
	_ =	sdelay $0x7  }
0xb0: {  	[tilespmem:v2+s14+$0x0] =	vst.idx.add.f32.msk @!p2 $0xffff, v3  }
0xb1: {  	v2 =	vld @!p2 [tilespmem:$0x8F0];
	_ =	sdelay $0x7  }
0xb2: {  	[tilespmem:v2+s14+$0x0] =	vst.idx.add.f32.msk @!p2 $0xffff, v3;
	s14 =	simm.s32 @!p2 $0x1  }
0xb3: {  	_ =	swait.ge @!p2 [sflag:s14], $0x4000  }
0xb4: {  	s17 =	simm.s32 @!p2 $0x880;
	[sflag:s14] =	ssyncset.done @!p2 $0x0  }
0xb5: {  	s18 =	simm.s32 @!p2 $0x1000;
	[sflag:s14] =	ssyncadd.s32 @!p2 $0xFFFFC000;
	s14 =	simm.s32 @!p2 $0x80  }
0xb6: {  	[spmem:s3] =	stream.indirect.scatter.add.f32 @!p2 [tilespmem:s18], [sflag:$0x8], $0x80, s17, s14, $0xb8;
	[tilespmem:$0x1F000] =	vst v63  }
0xb7: {  	s14 =	simm.s32 @!p2 $0x8  }
0xb8: {  	_ =	swait.ge @!p2 [sflag:s14], $0x4000  }
0xb9: {  	[sflag:s14] =	ssyncset.done @!p2 $0x0  }
0xba: {  	[sflag:s14] =	ssyncadd.s32 @!p2 $0xFFFFC000;
	s14 =	simm.s32 @!p3 $0x3  }
0xbb: {  	_ =	swait.ge @!p3 [sflag:s14], $0x400  }
0xbc: {  	s17 =	simm.s32 @!p3 $0x0;
	[sflag:s14] =	ssyncset.done @!p3 $0x0  }
0xbd: {  	s18 =	simm.s32 @!p3 $0x1000;
	[sflag:s14] =	ssyncadd.s32 @!p3 $0xFFFFFC00;
	s14 =	simm.s32 @!p3 $0x80  }
0xbe: {  	[tilespmem:s18], [sflag:$0x1] =	stream.indirect.gather @!p3 [hbm4b:s0+s14], $0x80, s17, s14, $0xb8;
	[tilespmem:$0x1F000] =	vst v63  }
0xbf: {  	v2 =	vld @!p1 [tilespmem:$0xC80];
	_ =	sdelay $0x6  }
0xc0: {  	v3 =	vimm.f32 @!p1 $1.000000000e+00;
	s14 =	simm.s32 @!p1 $0x9000  }
0xc1: {  	[tilespmem:v2+s14+$0x0] =	vst.idx.add.f32.msk @!p1 $0xffff, v3  }
0xc2: {  	v2 =	vld @!p1 [tilespmem:$0xC90];
	_ =	sdelay $0x7  }
0xc3: {  	[tilespmem:v2+s14+$0x0] =	vst.idx.add.f32.msk @!p1 $0xffff, v3  }
0xc4: {  	v2 =	vld @!p1 [tilespmem:$0xCA0];
	_ =	sdelay $0x7  }
0xc5: {  	[tilespmem:v2+s14+$0x0] =	vst.idx.add.f32.msk @!p1 $0xffff, v3  }
0xc6: {  	v2 =	vld @!p1 [tilespmem:$0xCB0];
	_ =	sdelay $0x7  }
0xc7: {  	[tilespmem:v2+s14+$0x0] =	vst.idx.add.f32.msk @!p1 $0xffff, v3  }
0xc8: {  	v2 =	vld @!p1 [tilespmem:$0xCC0];
	_ =	sdelay $0x7  }
0xc9: {  	[tilespmem:v2+s14+$0x0] =	vst.idx.add.f32.msk @!p1 $0xffff, v3  }
0xca: {  	v2 =	vld @!p1 [tilespmem:$0xCD0];
	_ =	sdelay $0x7  }
0xcb: {  	[tilespmem:v2+s14+$0x0] =	vst.idx.add.f32.msk @!p1 $0xffff, v3  }
0xcc: {  	v2 =	vld @!p1 [tilespmem:$0xCE0];
	_ =	sdelay $0x7  }
0xcd: {  	[tilespmem:v2+s14+$0x0] =	vst.idx.add.f32.msk @!p1 $0xffff, v3  }
0xce: {  	v2 =	vld @!p1 [tilespmem:$0xCF0];
	_ =	sdelay $0x7  }
0xcf: {  	[tilespmem:v2+s14+$0x0] =	vst.idx.add.f32.msk @!p1 $0xffff, v3;
	s14 =	simm.s32 @!p1 $0x2  }
0xd0: {  	s12 =	sadd.s32 $0x2000, s12;
	_ =	swait.ge @!p1 [sflag:s14], $0x4000  }
0xd1: {  	p2 =	sne.s32 s12, $0x28000;
	s17 =	simm.s32 @!p1 $0xC80;
	[sflag:s14] =	ssyncset.done @!p1 $0x0  }
0xd2: {  	s18 =	simm.s32 @!p1 $0x5000;
	[sflag:s14] =	ssyncadd.s32 @!p1 $0xFFFFC000;
	s14 =	simm.s32 @!p1 $0x80  }
0xd3: {  	[spmem:s3] =	stream.indirect.scatter.add.f32 @!p1 [tilespmem:s18], [sflag:$0x7], $0x80, s17, s14, $0xb8;
	[tilespmem:$0x1F000] =	vst v63  }
.Ltmp5:
0xd4: {  	_ = 	snop;
	(pc) =	sbr.rel @!p2 .LBB2_11-.Ltmp5, $4  }
0xd5: {  	s14 =	simm.s32 @!p1 $0x7  }
0xd6: {  	_ =	swait.ge @!p1 [sflag:s14], $0x4000  }
0xd7: {  	[sflag:s14] =	ssyncset.done @!p1 $0x0  }
0xd8: {  	s13 =	sadd.s32 $0x40, s13;
	[sflag:s14] =	ssyncadd.s32 @!p1 $0xFFFFC000  }
.LBB2_6:
0xd9: {  	s14 =	sadd.s32 $0x20, s13  }
0xda: {  	s18 =	sadd.s32 $0x30, s13;
	p2 =	sgt.u32 s14, $0x4E1  }
0xdb: {  	p1 =	sgt.u32 s18, $0x4E1;
	s14 =	sadd.s32 @!p2 s12, s16  }
0xdc: {  	s17 =	simm.s32 @!p2 $0x0;
	s28 =	simm.s32 @!p2 $0x800;
	s14 =	sadd.s32 @!p2 $0x1000, s14  }
0xdd: {  	[tilespmem:s28], [sflag:$0x5] =	stream.linear.gather @!p2 [hbm4b:s14+s17], $0x400, $0x38;
	[tilespmem:$0x1F000] =	vst v63  }
0xde: {  	s14 =	sadd.s32 @!p1 s12, s16  }
0xdf: {  	s18 =	simm.s32 @!p1 $0xC00;
	s17 =	simm.s32 @!p1 $0x0;
	s14 =	sadd.s32 @!p1 $0x1800, s14  }
0xe0: {  	[tilespmem:s18], [sflag:$0x6] =	stream.linear.gather @!p1 [hbm4b:s14+s17], $0x400, $0x38;
	[tilespmem:$0x1F000] =	vst v63  }
0xe1: {  	_ =	swait.ge [sflag:s1], $0x400  }
0xe2: {  	[sflag:s1] =	ssyncset.done $0x0  }
0xe3: {  	[sflag:s1] =	ssyncadd.s32 $0xFFFFFC00  }
0xe4: {  	[tilespmem:s31], [sflag:$0x2] =	stream.indirect.gather [hbm4b:s0+s29], $0x80, s26, s29, $0xb8;
	[tilespmem:$0x1F000] =	vst v63  }
0xe5: {  	v2 =	vld [tilespmem:$0x80];
	_ =	sdelay $0x7  }
0xe6: {  	[tilespmem:v2+s4+$0x0] =	vst.idx.add.f32.msk $0xffff, v1  }
0xe7: {  	v2 =	vld [tilespmem:$0x90];
	_ =	sdelay $0x7  }
0xe8: {  	[tilespmem:v2+s4+$0x0] =	vst.idx.add.f32.msk $0xffff, v1  }
0xe9: {  	v2 =	vld [tilespmem:$0xA0];
	_ =	sdelay $0x7  }
0xea: {  	[tilespmem:v2+s4+$0x0] =	vst.idx.add.f32.msk $0xffff, v1  }
0xeb: {  	v2 =	vld [tilespmem:$0xB0];
	_ =	sdelay $0x7  }
0xec: {  	[tilespmem:v2+s4+$0x0] =	vst.idx.add.f32.msk $0xffff, v1  }
0xed: {  	v2 =	vld [tilespmem:$0xC0];
	_ =	sdelay $0x7  }
0xee: {  	[tilespmem:v2+s4+$0x0] =	vst.idx.add.f32.msk $0xffff, v1  }
0xef: {  	v2 =	vld [tilespmem:$0xD0];
	_ =	sdelay $0x7  }
0xf0: {  	[tilespmem:v2+s4+$0x0] =	vst.idx.add.f32.msk $0xffff, v1  }
0xf1: {  	v2 =	vld [tilespmem:$0xE0];
	_ =	sdelay $0x7  }
0xf2: {  	[tilespmem:v2+s4+$0x0] =	vst.idx.add.f32.msk $0xffff, v1  }
0xf3: {  	v2 =	vld [tilespmem:$0xF0];
	_ =	sdelay $0x7  }
0xf4: {  	[tilespmem:v2+s4+$0x0] =	vst.idx.add.f32.msk $0xffff, v1  }
0xf5: {  	_ =	swait.ge [sflag:s5], $0x4000  }
0xf6: {  	[sflag:s5] =	ssyncset.done $0x0  }
0xf7: {  	[sflag:s5] =	ssyncadd.s32 $0xFFFFC000  }
0xf8: {  	[spmem:s3] =	stream.indirect.scatter.add.f32 [tilespmem:s30], [sflag:$0x8], $0x80, s29, s29, $0xb8;
	[tilespmem:$0x1F000] =	vst v63  }
0xf9: {  	_ =	swait.ge [sflag:s6], $0x4000  }
0xfa: {  	[sflag:s6] =	ssyncset.done $0x0  }
0xfb: {  	s14 =	simm.s32 @!p2 $0x5;
	[sflag:s6] =	ssyncadd.s32 $0xFFFFC000  }
0xfc: {  	_ =	swait.ge @!p2 [sflag:s14], $0x400  }
0xfd: {  	[sflag:s14] =	ssyncset.done @!p2 $0x0  }
0xfe: {  	s17 =	simm.s32 @!p2 $0x1000;
	[sflag:s14] =	ssyncadd.s32 @!p2 $0xFFFFFC00;
	s14 =	simm.s32 @!p2 $0x80  }
0xff: {  	[tilespmem:s17], [sflag:$0x1] =	stream.indirect.gather @!p2 [hbm4b:s0+s14], $0x80, s28, s14, $0xb8;
	[tilespmem:$0x1F000] =	vst v63  }
0x100: {  	v2 =	vld [tilespmem:$0x480];
	_ =	sdelay $0x7  }
0x101: {  	[tilespmem:v2+s4+$0x0] =	vst.idx.add.f32.msk $0xffff, v1  }
0x102: {  	v2 =	vld [tilespmem:$0x490];
	_ =	sdelay $0x7  }
0x103: {  	[tilespmem:v2+s4+$0x0] =	vst.idx.add.f32.msk $0xffff, v1  }
0x104: {  	v2 =	vld [tilespmem:$0x4A0];
	_ =	sdelay $0x7  }
0x105: {  	[tilespmem:v2+s4+$0x0] =	vst.idx.add.f32.msk $0xffff, v1  }
0x106: {  	v2 =	vld [tilespmem:$0x4B0];
	_ =	sdelay $0x7  }
0x107: {  	[tilespmem:v2+s4+$0x0] =	vst.idx.add.f32.msk $0xffff, v1  }
0x108: {  	v2 =	vld [tilespmem:$0x4C0];
	_ =	sdelay $0x7  }
0x109: {  	[tilespmem:v2+s4+$0x0] =	vst.idx.add.f32.msk $0xffff, v1  }
0x10a: {  	v2 =	vld [tilespmem:$0x4D0];
	_ =	sdelay $0x7  }
0x10b: {  	[tilespmem:v2+s4+$0x0] =	vst.idx.add.f32.msk $0xffff, v1  }
0x10c: {  	v2 =	vld [tilespmem:$0x4E0];
	_ =	sdelay $0x7  }
0x10d: {  	[tilespmem:v2+s4+$0x0] =	vst.idx.add.f32.msk $0xffff, v1  }
0x10e: {  	v2 =	vld [tilespmem:$0x4F0];
	_ =	sdelay $0x7  }
0x10f: {  	[tilespmem:v2+s4+$0x0] =	vst.idx.add.f32.msk $0xffff, v1  }
0x110: {  	_ =	swait.ge [sflag:s7], $0x4000  }
0x111: {  	p3 =	sgt.u32 s13, $0x4A1;
	[sflag:s7] =	ssyncset.done $0x0  }
.Ltmp6:
0x112: {  	[sflag:s7] =	ssyncadd.s32 $0xFFFFC000;
	(pc) =	sbr.rel @!p3 .LBB2_7-.Ltmp6, $4  }
0x113: {  	[spmem:s3] =	stream.indirect.scatter.add.f32 [tilespmem:s31], [sflag:$0x8], $0x80, s8, s29, $0xb8;
	[tilespmem:$0x1F000] =	vst v63  }
0x114: {  	_ =	swait.ge [sflag:s6], $0x4000  }
0x115: {  	[sflag:s6] =	ssyncset.done $0x0  }
0x116: {  	[sflag:s6] =	ssyncadd.s32 $0xFFFFC000  }
.Ltmp7:
0x117: {  	(pc) =	sbr.rel @p1 .LBB2_10-.Ltmp7, $4  }
.Ltmp8:
0x118: {  	(pc) =	sbr.rel @!p1 .LBB2_9-.Ltmp8, $4  }
0x119: {  	_ = 	snop  }
0x11a: {  	_ = 	snop  }
0x11b: {  	_ = 	snop  }
0x11c: {  	_ = 	snop  }
.LBB2_12:
0x11d: {  	_ =	sfence.sel $0x180000  }
0x11e: {  	[bflag:$0x0] =	sbarrier.arrive $0xFFFF  }
0x11f: {  	_ =	strace $0x90000047  }
0x120: {  	s0 =	stileid.u32;
	[bflag:$0x2] =	sbarrier.arrive $0xFFFF  }
0x121: {  	p0 =	sne.s32 s0, $0x0;
	s0 =	rddreg [dreg:$0x4]  }
0x122: {  	s0 =	sadd.s32 @!p0 $0x100000, s0  }
0x123: {  	[sflag:s0] =	ssyncadd.tile.s32 @!p0 $0x1;
	_ =	shalt  }
.Lfunc_end2:
_tile_overlayer_lowered:
.L_overlay_start_2:
0x124: {  	(tag) =	ssettag $0x2  }
0x125: {  	s0 =	rddreg [dreg:$0x0];
	s2 =	stileid.u32  }
0x126: {  	s1 =	rddreg [dreg:$0x1];
	p0 =	sne.s32 s2, $0x0  }
0x127: {  	s3 =	rddreg [dreg:$0x2];
	[bflag:$0x3] =	sbarrier.arrive $0xFFFF;
	s2 =	simm.s32 @!p0 $0x1C07  }
0x128: {  	[timem:s3], [sflag:s2] =	dma.local @!p0 [hbm:s0], s1  }
0x129: {  	s0 =	simm.s32 @!p0 $0x7  }
0x12a: {  	_ =	swait.ge @!p0 [sflag:s0], s1  }
0x12b: {  	s1 =	ssub.s32 @!p0 $0x0, s1;
	[sflag:s0] =	ssyncset.done @!p0 $0x0  }
0x12c: {  	[sflag:s0] =	ssyncadd.s32 @!p0 s1  }
0x12d: {  	[bflag:$0x3] =	sbarrier.arrive $0xFFFF  }
0x12e: {  	_ =	shalt  }

</sc_bundles>
